<compile_context>
chip_gen: v7x
topology: tpu7x:2x2x1
jax: 0.10.2.dev20260603
libtpu: 0.0.44.dev20260713+nightly
codegen_flags: <defaults>
</compile_context>

<pallas_src>
import functools

import jax
import jax.numpy as jnp
from jax import lax
from jax.experimental import pallas as pl
from jax.experimental.pallas import tpu as pltpu
from jax.experimental.pallas import tpu_sc as plsc

_B, _N, _C = 64, 576, 768
_K = 32
_NUM_CLASSES = 1000
_ROWS = _B * _K

_NC, _NS = 2, 16
_NW = _NC * _NS
_SPW = _B // _NW
_RPW = _ROWS // _NW
_NCH = _N // 16

_GB = 4
_RB = _ROWS // _GB
_BB = _RB // _K


@functools.cache
def _make_sc_topk_gather():
    @functools.partial(
        pl.kernel,
        out_type=jax.ShapeDtypeStruct((_ROWS, _C), jnp.float32),
        mesh=plsc.VectorSubcoreMesh(
            core_axis_name="c", subcore_axis_name="s",
            num_cores=_NC, num_subcores=_NS,
        ),
        scratch_types=[
            pltpu.VMEM((_N,), jnp.float32),
            pltpu.VMEM((_N,), jnp.float32),
            pltpu.VMEM((_RPW,), jnp.int32),
            pltpu.VMEM((_RPW, _C), jnp.float32),
            pltpu.SemaphoreType.DMA,
        ],
        compiler_params=pltpu.CompilerParams(needs_layout_passes=False),
    )
    def _sc_topk_gather(x_hbm, r_hbm, out_hbm, rv0, rv1, idxv, rowsv, gs0):
        wid = lax.axis_index("s") * _NC + lax.axis_index("c")
        iota = lax.iota(jnp.int32, 16)

        def _sort(v):
            return plsc.sort_key_val(v, v)[0]

        b0 = wid * _SPW
        b1 = b0 + 1
        pltpu.sync_copy(r_hbm.at[b0], rv0)
        pltpu.sync_copy(r_hbm.at[b1], rv1)
        rvs = (rv0, rv1)

        def _init(rv):
            c0 = _sort(rv[pl.ds(0, 16)])
            c1 = _sort(rv[pl.ds(16, 16)])
            return (_sort(jnp.maximum(c0, jnp.flip(c1))),
                    _sort(jnp.minimum(c0, jnp.flip(c1))))

        def _merge1(rv, j, top, und):
            c = _sort(rv[pl.ds(j * 16, 16)])
            hi = _sort(jnp.maximum(und, jnp.flip(c)))
            lo = jnp.minimum(und, jnp.flip(c))
            ntop = jnp.maximum(top, jnp.flip(hi))
            mid = _sort(jnp.minimum(top, jnp.flip(hi)))
            los = _sort(lo)
            nund = _sort(jnp.maximum(mid, jnp.flip(los)))
            return _sort(ntop), nund

        t0, u0 = _init(rv0)
        t1, u1 = _init(rv1)

        def merge(j, st):
            t0, u0, t1, u1 = st
            t0, u0 = _merge1(rv0, j, t0, u0)
            t1, u1 = _merge1(rv1, j, t1, u1)
            return t0, u0, t1, u1

        _, u0, _, u1 = lax.fori_loop(2, _NCH, merge, (t0, u0, t1, u1))
        thrs = (jnp.full((16,), jnp.min(u0), jnp.float32),
                jnp.full((16,), jnp.min(u1), jnp.float32))

        gbases = (b0 * _N, b1 * _N)
        start = (jnp.zeros((16,), jnp.int32),
                 jnp.full((16,), _K, jnp.int32))
        end = (jnp.full((16,), _K, jnp.int32),
               jnp.full((16,), 2 * _K, jnp.int32))

        def strict(j, cnts):
            out = []
            for s in range(_SPW):
                v = rvs[s][pl.ds(j * 16, 16)]
                m = v > thrs[s]
                pos = plsc.cumsum(m.astype(jnp.int32)) - 1 + cnts[s]
                plsc.store_scatter(idxv, [pos], iota + (j * 16 + gbases[s]),
                                   mask=m)
                out.append(cnts[s] + plsc.all_reduce_population_count(m))
            return tuple(out)

        cnts = lax.fori_loop(0, _NCH, strict, start)

        def ties(j, cnts):
            out = []
            for s in range(_SPW):
                v = rvs[s][pl.ds(j * 16, 16)]
                m = v == thrs[s]
                pos = plsc.cumsum(m.astype(jnp.int32)) - 1 + cnts[s]
                sel = m & (pos < end[s])
                plsc.store_scatter(idxv, [pos], iota + (j * 16 + gbases[s]),
                                   mask=sel)
                out.append(cnts[s] + plsc.all_reduce_population_count(sel))
            return tuple(out)

        lax.fori_loop(0, _NCH, ties, cnts)

        pltpu.async_copy(x_hbm.at[idxv], rowsv, gs0).wait()
        pltpu.sync_copy(rowsv, out_hbm.at[pl.ds(wid * _RPW, _RPW)])

    return _sc_topk_gather


def _dense_body(xt_ref, ww_ref, wb_ref, vw_ref, fcw_ref, fcb_ref, out_ref,
                u_ref, den_ref):
    i = pl.program_id(0)
    xt = xt_ref[...]
    h = jnp.tanh(
        lax.dot_general(xt.astype(jnp.bfloat16), ww_ref[...],
                        (((1,), (1,)), ((), ())),
                        preferred_element_type=jnp.float32)
        + wb_ref[...]
    )
    e = jnp.exp(
        lax.dot_general(h, vw_ref[...], (((1,), (1,)), ((), ())),
                        preferred_element_type=jnp.float32)
    )
    gcol = lax.broadcasted_iota(jnp.int32, (_BB, _RB), 1)
    grow = lax.broadcasted_iota(jnp.int32, (_BB, _RB), 0)
    g = (lax.div(gcol, jnp.int32(_K)) == grow).astype(jnp.float32)
    u_ref[pl.ds(i * _BB, _BB), :] = jnp.dot(g, xt * e,
                                            preferred_element_type=jnp.float32)
    den_ref[pl.ds(i * _BB, _BB), :] = jnp.dot(g, e,
                                              preferred_element_type=jnp.float32)

    @pl.when(i == _GB - 1)
    def _():
        z = u_ref[...] / den_ref[...]
        out_ref[...] = (
            lax.dot_general(z.astype(jnp.bfloat16), fcw_ref[...],
                            (((1,), (1,)), ((), ())),
                            preferred_element_type=jnp.float32)
            + fcb_ref[...]
        )


def _dense(xt, pool_W_w, pool_W_b, pool_v_w, fc_w, fc_b):
    return pl.pallas_call(
        _dense_body,
        grid=(_GB,),
        in_specs=[
            pl.BlockSpec((_RB, _C), lambda i: (i, 0)),
            pl.BlockSpec((_C, _C), lambda i: (0, 0)),
            pl.BlockSpec((1, _C), lambda i: (0, 0)),
            pl.BlockSpec((1, _C), lambda i: (0, 0)),
            pl.BlockSpec((_NUM_CLASSES, _C), lambda i: (0, 0)),
            pl.BlockSpec((1, _NUM_CLASSES), lambda i: (0, 0)),
        ],
        out_specs=pl.BlockSpec((_B, _NUM_CLASSES), lambda i: (0, 0)),
        out_shape=jax.ShapeDtypeStruct((_B, _NUM_CLASSES), jnp.float32),
        scratch_shapes=[
            pltpu.VMEM((_B, _C), jnp.float32),
            pltpu.VMEM((_B, 1), jnp.float32),
        ],
    )(
        xt,
        pool_W_w.astype(jnp.bfloat16),
        pool_W_b.reshape(1, _C),
        pool_v_w,
        fc_w.astype(jnp.bfloat16),
        fc_b.reshape(1, _NUM_CLASSES),
    )


def kernel(x, r, pool_W_w, pool_W_b, pool_v_w, pool_v_b, fc_w, fc_b):
    xt = _make_sc_topk_gather()(x.reshape(_B * _N, _C), r)
    return _dense(xt, pool_W_w, pool_W_b, pool_v_w, fc_w, fc_b)

# --- scband reference (transcript-rebuilt; emitter-appended) ---
"""Pipeline reference for scband-reliability-top-khead-30837865185700 (READ-ONLY COPY).

The authoritative reference and input builder live on the scoring server;
editing this copy changes nothing except your own understanding.
"""

import jax, jax.numpy as jnp
import numpy as np

B, N, C = 64, 576, 768
NUM_CLASSES = 1000
TOPK = 32
POOL_HIDDEN = 768

def setup_inputs(seed: int = 0) -> dict:
    key = jax.random.key(seed)
    ks = jax.random.split(key, 8)
    x = jax.random.normal(ks[0], (B, N, C), dtype=jnp.float32)
    r = jax.random.normal(ks[1], (B, N), dtype=jnp.float32)
    s1 = 1.0 / np.sqrt(C)
    s2 = 1.0 / np.sqrt(POOL_HIDDEN)
    pool_W_w = jax.random.uniform(ks[2], (POOL_HIDDEN, C), minval=-s1, maxval=s1, dtype=jnp.float32)
    pool_W_b = jax.random.uniform(ks[3], (POOL_HIDDEN,), minval=-s1, maxval=s1, dtype=jnp.float32)
    pool_v_w = jax.random.uniform(ks[4], (1, POOL_HIDDEN), minval=-s2, maxval=s2, dtype=jnp.float32)
    pool_v_b = jax.random.uniform(ks[5], (1,), minval=-s2, maxval=s2, dtype=jnp.float32)
    fc_w = jax.random.uniform(ks[6], (NUM_CLASSES, C), minval=-s1, maxval=s1, dtype=jnp.float32)
    fc_b = jax.random.uniform(ks[7], (NUM_CLASSES,), minval=-s1, maxval=s1, dtype=jnp.float32)
    return {"x": x, "r": r, "pool_W_w": pool_W_w, "pool_W_b": pool_W_b, "pool_v_w": pool_v_w, "pool_v_b": pool_v_b, "fc_w": fc_w, "fc_b": fc_b}

def reference(x, r, pool_W_w, pool_W_b, pool_v_w, pool_v_b, fc_w, fc_b):
    K = min(TOPK, r.shape[1])
    vals, idx = jax.lax.top_k(r, K)  # [B, K]
    x_topk = jnp.take_along_axis(x, idx[:, :, None], axis=1)  # [B, K, C]
    h = jnp.tanh(jnp.einsum('bkc,hc->bkh', x_topk, pool_W_w) + pool_W_b)
    score = (jnp.einsum('bkh,oh->bko', h, pool_v_w) + pool_v_b)[..., 0]  # [B, K]
    alpha = jax.nn.softmax(score, axis=1)
    z = jnp.sum(alpha[:, :, None] * x_topk, axis=1)  # [B, C]
    logits = z @ fc_w.T + fc_b  # [B, num_classes]
    return logits

if __name__ == "__main__":
    import jax
    _d = setup_inputs()
    print(jax.jit(kernel)(*tuple(_d.values())))

</pallas_src>

<mosaic_0001>
#map = affine_map<(d0, d1) -> (0, 0)>
module attributes {stable_mosaic.version = 14 : i64} {
  func.func @_sc_topk_gather(%arg0: i32, %arg1: i32, %arg2: memref<36864x768xf32, #tpu.memory_space<hbm>>, %arg3: memref<64x576xf32, #tpu.memory_space<hbm>>, %arg4: memref<2048x768xf32, #tpu.memory_space<hbm>>, %arg5: memref<576xf32, #tpu.memory_space<vmem>>, %arg6: memref<576xf32, #tpu.memory_space<vmem>>, %arg7: memref<64xi32, #tpu.memory_space<vmem>>, %arg8: memref<64x768xf32, #tpu.memory_space<vmem>>, %arg9: memref<!tpu.dma_semaphore, #tpu.memory_space<semaphore_mem>>) attributes {dimension_semantics = [#tpu.dimension_semantics<core_parallel>, #tpu.dimension_semantics<subcore_parallel>], iteration_bounds = array<i64: 2, 16>, scalar_prefetch = 0 : i64, scratch_operands = 5 : i64, tpu.core_type = #tpu.core_type<sc_vector_subcore>, window_params = [{transform_indices = #map}, {transform_indices = #map}, {transform_indices = #map}]} {
    %mul3A = arith.constant 2 : i32
    %mul3A_0 = arith.muli %arg1, %mul3A : i32
    %add3A = arith.addi %mul3A_0, %arg0 : i32
    %iota3A = tpu.iota {dimensions = array<i32: 0>} : vector<16xi32>
    %mul3A_1 = arith.constant 2 : i32
    %mul3A_2 = arith.muli %add3A, %mul3A_1 : i32
    %add3A_3 = arith.constant 1 : i32
    %add3A_4 = arith.addi %mul3A_2, %add3A_3 : i32
    "tpu.region"() ({
      %run_scoped3A = tpu.sem_alloc : memref<!tpu.dma_semaphore, #tpu.memory_space<semaphore_mem>>
      %dma_start3A_107 = arith.constant 0 : i32
      %dma_start3A_108 = tpu.memref_slice %arg3[%mul3A_2, %dma_start3A_107] : memref<64x576xf32, #tpu.memory_space<hbm>> -> memref<1x576xf32, #tpu.memory_space<hbm>>
      %dma_start3A_109 = tpu.memref_squeeze %dma_start3A_108 : memref<1x576xf32, #tpu.memory_space<hbm>> -> memref<576xf32, #tpu.memory_space<hbm>>
      %dma_start3A_110 = arith.constant 0 : i32
      %dma_start3A_111 = tpu.memref_slice %arg3[%mul3A_2, %dma_start3A_110] : memref<64x576xf32, #tpu.memory_space<hbm>> -> memref<1x576xf32, #tpu.memory_space<hbm>>
      %dma_start3A_112 = tpu.memref_squeeze %dma_start3A_111 : memref<1x576xf32, #tpu.memory_space<hbm>> -> memref<576xf32, #tpu.memory_space<hbm>>
      tpu.enqueue_dma source(%dma_start3A_112 : memref<576xf32, #tpu.memory_space<hbm>>) target(%arg5 : memref<576xf32, #tpu.memory_space<vmem>>) target_semaphore(%run_scoped3A : memref<!tpu.dma_semaphore, #tpu.memory_space<semaphore_mem>>)
      %dma_wait3A_113 = arith.constant 0 : i32
      %dma_wait3A_114 = tpu.memref_slice %arg3[%mul3A_2, %dma_wait3A_113] : memref<64x576xf32, #tpu.memory_space<hbm>> -> memref<1x576xf32, #tpu.memory_space<hbm>>
      %dma_wait3A_115 = tpu.memref_squeeze %dma_wait3A_114 : memref<1x576xf32, #tpu.memory_space<hbm>> -> memref<576xf32, #tpu.memory_space<hbm>>
      %dma_wait3A_116 = arith.constant 0 : i32
      %dma_wait3A_117 = tpu.memref_slice %arg3[%mul3A_2, %dma_wait3A_116] : memref<64x576xf32, #tpu.memory_space<hbm>> -> memref<1x576xf32, #tpu.memory_space<hbm>>
      %dma_wait3A_118 = tpu.memref_squeeze %dma_wait3A_117 : memref<1x576xf32, #tpu.memory_space<hbm>> -> memref<576xf32, #tpu.memory_space<hbm>>
      tpu.wait_dma2 semaphore(%run_scoped3A : memref<!tpu.dma_semaphore, #tpu.memory_space<semaphore_mem>>) src(%dma_wait3A_118 : memref<576xf32, #tpu.memory_space<hbm>>) dst(%arg5 : memref<576xf32, #tpu.memory_space<vmem>>)
      tpu.yield
    }) : () -> ()
    "tpu.region"() ({
      %run_scoped3A = tpu.sem_alloc : memref<!tpu.dma_semaphore, #tpu.memory_space<semaphore_mem>>
      %dma_start3A_107 = arith.constant 0 : i32
      %dma_start3A_108 = tpu.memref_slice %arg3[%add3A_4, %dma_start3A_107] : memref<64x576xf32, #tpu.memory_space<hbm>> -> memref<1x576xf32, #tpu.memory_space<hbm>>
      %dma_start3A_109 = tpu.memref_squeeze %dma_start3A_108 : memref<1x576xf32, #tpu.memory_space<hbm>> -> memref<576xf32, #tpu.memory_space<hbm>>
      %dma_start3A_110 = arith.constant 0 : i32
      %dma_start3A_111 = tpu.memref_slice %arg3[%add3A_4, %dma_start3A_110] : memref<64x576xf32, #tpu.memory_space<hbm>> -> memref<1x576xf32, #tpu.memory_space<hbm>>
      %dma_start3A_112 = tpu.memref_squeeze %dma_start3A_111 : memref<1x576xf32, #tpu.memory_space<hbm>> -> memref<576xf32, #tpu.memory_space<hbm>>
      tpu.enqueue_dma source(%dma_start3A_112 : memref<576xf32, #tpu.memory_space<hbm>>) target(%arg6 : memref<576xf32, #tpu.memory_space<vmem>>) target_semaphore(%run_scoped3A : memref<!tpu.dma_semaphore, #tpu.memory_space<semaphore_mem>>)
      %dma_wait3A_113 = arith.constant 0 : i32
      %dma_wait3A_114 = tpu.memref_slice %arg3[%add3A_4, %dma_wait3A_113] : memref<64x576xf32, #tpu.memory_space<hbm>> -> memref<1x576xf32, #tpu.memory_space<hbm>>
      %dma_wait3A_115 = tpu.memref_squeeze %dma_wait3A_114 : memref<1x576xf32, #tpu.memory_space<hbm>> -> memref<576xf32, #tpu.memory_space<hbm>>
      %dma_wait3A_116 = arith.constant 0 : i32
      %dma_wait3A_117 = tpu.memref_slice %arg3[%add3A_4, %dma_wait3A_116] : memref<64x576xf32, #tpu.memory_space<hbm>> -> memref<1x576xf32, #tpu.memory_space<hbm>>
      %dma_wait3A_118 = tpu.memref_squeeze %dma_wait3A_117 : memref<1x576xf32, #tpu.memory_space<hbm>> -> memref<576xf32, #tpu.memory_space<hbm>>
      tpu.wait_dma2 semaphore(%run_scoped3A : memref<!tpu.dma_semaphore, #tpu.memory_space<semaphore_mem>>) src(%dma_wait3A_118 : memref<576xf32, #tpu.memory_space<hbm>>) dst(%arg6 : memref<576xf32, #tpu.memory_space<vmem>>)
      tpu.yield
    }) : () -> ()
    %get3A = arith.constant 0 : index
    %get3A_5 = tpu.vector_load %arg5[%get3A] {strides = array<i32>} : memref<576xf32, #tpu.memory_space<vmem>>, vector<16xf32>,
    %masked_sort3A = arith.constant dense<true> : vector<16xi1>
    %masked_sort3A_6, %masked_sort3A_7, %masked_sort3A_8 = tpu.sort %get3A_5, %get3A_5 masked %masked_sort3A : (vector<16xf32>, vector<16xf32>, vector<16xi1>) -> (vector<16xi1>, vector<16xf32>, vector<16xf32>)
    %get3A_9 = arith.constant 16 : index
    %get3A_10 = tpu.vector_load %arg5[%get3A_9] {strides = array<i32>} : memref<576xf32, #tpu.memory_space<vmem>>, vector<16xf32>,
    %masked_sort3A_11 = arith.constant dense<true> : vector<16xi1>
    %masked_sort3A_12, %masked_sort3A_13, %masked_sort3A_14 = tpu.sort %get3A_10, %get3A_10 masked %masked_sort3A_11 : (vector<16xf32>, vector<16xf32>, vector<16xi1>) -> (vector<16xi1>, vector<16xf32>, vector<16xf32>)
    %rev3A = arith.constant 15 : i32
    %rev3A_15 = vector.broadcast %rev3A : i32 to vector<16xi32>
    %rev3A_16 = tpu.iota {dimensions = array<i32: 0>} : vector<16xi32>
    %rev3A_17 = arith.subi %rev3A_15, %rev3A_16 : vector<16xi32>
    %rev3A_18 = tpu.dynamic_gather %masked_sort3A_13[%rev3A_17] in [0] : vector<16xf32>, vector<16xi32> -> vector<16xf32>
    %max3A = arith.maximumf %masked_sort3A_7, %rev3A_18 : vector<16xf32>
    %masked_sort3A_19 = arith.constant dense<true> : vector<16xi1>
    %masked_sort3A_20, %masked_sort3A_21, %masked_sort3A_22 = tpu.sort %max3A, %max3A masked %masked_sort3A_19 : (vector<16xf32>, vector<16xf32>, vector<16xi1>) -> (vector<16xi1>, vector<16xf32>, vector<16xf32>)
    %rev3A_23 = arith.constant 15 : i32
    %rev3A_24 = vector.broadcast %rev3A_23 : i32 to vector<16xi32>
    %rev3A_25 = tpu.iota {dimensions = array<i32: 0>} : vector<16xi32>
    %rev3A_26 = arith.subi %rev3A_24, %rev3A_25 : vector<16xi32>
    %rev3A_27 = tpu.dynamic_gather %masked_sort3A_13[%rev3A_26] in [0] : vector<16xf32>, vector<16xi32> -> vector<16xf32>
    %min3A = arith.minimumf %masked_sort3A_7, %rev3A_27 : vector<16xf32>
    %masked_sort3A_28 = arith.constant dense<true> : vector<16xi1>
    %masked_sort3A_29, %masked_sort3A_30, %masked_sort3A_31 = tpu.sort %min3A, %min3A masked %masked_sort3A_28 : (vector<16xf32>, vector<16xf32>, vector<16xi1>) -> (vector<16xi1>, vector<16xf32>, vector<16xf32>)
    %get3A_32 = arith.constant 0 : index
    %get3A_33 = tpu.vector_load %arg6[%get3A_32] {strides = array<i32>} : memref<576xf32, #tpu.memory_space<vmem>>, vector<16xf32>,
    %masked_sort3A_34 = arith.constant dense<true> : vector<16xi1>
    %masked_sort3A_35, %masked_sort3A_36, %masked_sort3A_37 = tpu.sort %get3A_33, %get3A_33 masked %masked_sort3A_34 : (vector<16xf32>, vector<16xf32>, vector<16xi1>) -> (vector<16xi1>, vector<16xf32>, vector<16xf32>)
    %get3A_38 = arith.constant 16 : index
    %get3A_39 = tpu.vector_load %arg6[%get3A_38] {strides = array<i32>} : memref<576xf32, #tpu.memory_space<vmem>>, vector<16xf32>,
    %masked_sort3A_40 = arith.constant dense<true> : vector<16xi1>
    %masked_sort3A_41, %masked_sort3A_42, %masked_sort3A_43 = tpu.sort %get3A_39, %get3A_39 masked %masked_sort3A_40 : (vector<16xf32>, vector<16xf32>, vector<16xi1>) -> (vector<16xi1>, vector<16xf32>, vector<16xf32>)
    %rev3A_44 = arith.constant 15 : i32
    %rev3A_45 = vector.broadcast %rev3A_44 : i32 to vector<16xi32>
    %rev3A_46 = tpu.iota {dimensions = array<i32: 0>} : vector<16xi32>
    %rev3A_47 = arith.subi %rev3A_45, %rev3A_46 : vector<16xi32>
    %rev3A_48 = tpu.dynamic_gather %masked_sort3A_42[%rev3A_47] in [0] : vector<16xf32>, vector<16xi32> -> vector<16xf32>
    %max3A_49 = arith.maximumf %masked_sort3A_36, %rev3A_48 : vector<16xf32>
    %masked_sort3A_50 = arith.constant dense<true> : vector<16xi1>
    %masked_sort3A_51, %masked_sort3A_52, %masked_sort3A_53 = tpu.sort %max3A_49, %max3A_49 masked %masked_sort3A_50 : (vector<16xf32>, vector<16xf32>, vector<16xi1>) -> (vector<16xi1>, vector<16xf32>, vector<16xf32>)
    %rev3A_54 = arith.constant 15 : i32
    %rev3A_55 = vector.broadcast %rev3A_54 : i32 to vector<16xi32>
    %rev3A_56 = tpu.iota {dimensions = array<i32: 0>} : vector<16xi32>
    %rev3A_57 = arith.subi %rev3A_55, %rev3A_56 : vector<16xi32>
    %rev3A_58 = tpu.dynamic_gather %masked_sort3A_42[%rev3A_57] in [0] : vector<16xf32>, vector<16xi32> -> vector<16xf32>
    %min3A_59 = arith.minimumf %masked_sort3A_36, %rev3A_58 : vector<16xf32>
    %masked_sort3A_60 = arith.constant dense<true> : vector<16xi1>
    %masked_sort3A_61, %masked_sort3A_62, %masked_sort3A_63 = tpu.sort %min3A_59, %min3A_59 masked %masked_sort3A_60 : (vector<16xf32>, vector<16xf32>, vector<16xi1>) -> (vector<16xi1>, vector<16xf32>, vector<16xf32>)
    %scan3A = arith.constant 2 : i32
    %scan3A_64 = arith.constant 34 : i32
    %scan3A_65 = arith.addi %scan3A, %scan3A_64 : i32
    %scan3A_66 = arith.constant 1 : i32
    %scan3A_67:4 = scf.for %scan3A_107 = %scan3A to %scan3A_65 step %scan3A_66 iter_args(%scan3A_108 = %masked_sort3A_21, %scan3A_109 = %masked_sort3A_30, %scan3A_110 = %masked_sort3A_52, %scan3A_111 = %masked_sort3A_62) -> (vector<16xf32>, vector<16xf32>, vector<16xf32>, vector<16xf32>)  : i32 {
      %mul3A_112 = arith.constant 16 : i32
      %mul3A_113 = arith.muli %scan3A_107, %mul3A_112 : i32
      %get3A_114 = arith.index_cast %mul3A_113 : i32 to index
      %get3A_115 = tpu.vector_load %arg5[%get3A_114] {strides = array<i32>} : memref<576xf32, #tpu.memory_space<vmem>>, vector<16xf32>,
      %masked_sort3A_116 = arith.constant dense<true> : vector<16xi1>
      %masked_sort3A_117, %masked_sort3A_118, %masked_sort3A_119 = tpu.sort %get3A_115, %get3A_115 masked %masked_sort3A_116 : (vector<16xf32>, vector<16xf32>, vector<16xi1>) -> (vector<16xi1>, vector<16xf32>, vector<16xf32>)
      %rev3A_120 = arith.constant 15 : i32
      %rev3A_121 = vector.broadcast %rev3A_120 : i32 to vector<16xi32>
      %rev3A_122 = tpu.iota {dimensions = array<i32: 0>} : vector<16xi32>
      %rev3A_123 = arith.subi %rev3A_121, %rev3A_122 : vector<16xi32>
      %rev3A_124 = tpu.dynamic_gather %masked_sort3A_118[%rev3A_123] in [0] : vector<16xf32>, vector<16xi32> -> vector<16xf32>
      %max3A_125 = arith.maximumf %scan3A_109, %rev3A_124 : vector<16xf32>
      %masked_sort3A_126 = arith.constant dense<true> : vector<16xi1>
      %masked_sort3A_127, %masked_sort3A_128, %masked_sort3A_129 = tpu.sort %max3A_125, %max3A_125 masked %masked_sort3A_126 : (vector<16xf32>, vector<16xf32>, vector<16xi1>) -> (vector<16xi1>, vector<16xf32>, vector<16xf32>)
      %rev3A_130 = arith.constant 15 : i32
      %rev3A_131 = vector.broadcast %rev3A_130 : i32 to vector<16xi32>
      %rev3A_132 = tpu.iota {dimensions = array<i32: 0>} : vector<16xi32>
      %rev3A_133 = arith.subi %rev3A_131, %rev3A_132 : vector<16xi32>
      %rev3A_134 = tpu.dynamic_gather %masked_sort3A_118[%rev3A_133] in [0] : vector<16xf32>, vector<16xi32> -> vector<16xf32>
      %min3A_135 = arith.minimumf %scan3A_109, %rev3A_134 : vector<16xf32>
      %rev3A_136 = arith.constant 15 : i32
      %rev3A_137 = vector.broadcast %rev3A_136 : i32 to vector<16xi32>
      %rev3A_138 = tpu.iota {dimensions = array<i32: 0>} : vector<16xi32>
      %rev3A_139 = arith.subi %rev3A_137, %rev3A_138 : vector<16xi32>
      %rev3A_140 = tpu.dynamic_gather %masked_sort3A_128[%rev3A_139] in [0] : vector<16xf32>, vector<16xi32> -> vector<16xf32>
      %max3A_141 = arith.maximumf %scan3A_108, %rev3A_140 : vector<16xf32>
      %rev3A_142 = arith.constant 15 : i32
      %rev3A_143 = vector.broadcast %rev3A_142 : i32 to vector<16xi32>
      %rev3A_144 = tpu.iota {dimensions = array<i32: 0>} : vector<16xi32>
      %rev3A_145 = arith.subi %rev3A_143, %rev3A_144 : vector<16xi32>
      %rev3A_146 = tpu.dynamic_gather %masked_sort3A_128[%rev3A_145] in [0] : vector<16xf32>, vector<16xi32> -> vector<16xf32>
      %min3A_147 = arith.minimumf %scan3A_108, %rev3A_146 : vector<16xf32>
      %masked_sort3A_148 = arith.constant dense<true> : vector<16xi1>
      %masked_sort3A_149, %masked_sort3A_150, %masked_sort3A_151 = tpu.sort %min3A_147, %min3A_147 masked %masked_sort3A_148 : (vector<16xf32>, vector<16xf32>, vector<16xi1>) -> (vector<16xi1>, vector<16xf32>, vector<16xf32>)
      %masked_sort3A_152 = arith.constant dense<true> : vector<16xi1>
      %masked_sort3A_153, %masked_sort3A_154, %masked_sort3A_155 = tpu.sort %min3A_135, %min3A_135 masked %masked_sort3A_152 : (vector<16xf32>, vector<16xf32>, vector<16xi1>) -> (vector<16xi1>, vector<16xf32>, vector<16xf32>)
      %rev3A_156 = arith.constant 15 : i32
      %rev3A_157 = vector.broadcast %rev3A_156 : i32 to vector<16xi32>
      %rev3A_158 = tpu.iota {dimensions = array<i32: 0>} : vector<16xi32>
      %rev3A_159 = arith.subi %rev3A_157, %rev3A_158 : vector<16xi32>
      %rev3A_160 = tpu.dynamic_gather %masked_sort3A_154[%rev3A_159] in [0] : vector<16xf32>, vector<16xi32> -> vector<16xf32>
      %max3A_161 = arith.maximumf %masked_sort3A_150, %rev3A_160 : vector<16xf32>
      %masked_sort3A_162 = arith.constant dense<true> : vector<16xi1>
      %masked_sort3A_163, %masked_sort3A_164, %masked_sort3A_165 = tpu.sort %max3A_161, %max3A_161 masked %masked_sort3A_162 : (vector<16xf32>, vector<16xf32>, vector<16xi1>) -> (vector<16xi1>, vector<16xf32>, vector<16xf32>)
      %masked_sort3A_166 = arith.constant dense<true> : vector<16xi1>
      %masked_sort3A_167, %masked_sort3A_168, %masked_sort3A_169 = tpu.sort %max3A_141, %max3A_141 masked %masked_sort3A_166 : (vector<16xf32>, vector<16xf32>, vector<16xi1>) -> (vector<16xi1>, vector<16xf32>, vector<16xf32>)
      %mul3A_170 = arith.constant 16 : i32
      %mul3A_171 = arith.muli %scan3A_107, %mul3A_170 : i32
      %get3A_172 = arith.index_cast %mul3A_171 : i32 to index
      %get3A_173 = tpu.vector_load %arg6[%get3A_172] {strides = array<i32>} : memref<576xf32, #tpu.memory_space<vmem>>, vector<16xf32>,
      %masked_sort3A_174 = arith.constant dense<true> : vector<16xi1>
      %masked_sort3A_175, %masked_sort3A_176, %masked_sort3A_177 = tpu.sort %get3A_173, %get3A_173 masked %masked_sort3A_174 : (vector<16xf32>, vector<16xf32>, vector<16xi1>) -> (vector<16xi1>, vector<16xf32>, vector<16xf32>)
      %rev3A_178 = arith.constant 15 : i32
      %rev3A_179 = vector.broadcast %rev3A_178 : i32 to vector<16xi32>
      %rev3A_180 = tpu.iota {dimensions = array<i32: 0>} : vector<16xi32>
      %rev3A_181 = arith.subi %rev3A_179, %rev3A_180 : vector<16xi32>
      %rev3A_182 = tpu.dynamic_gather %masked_sort3A_176[%rev3A_181] in [0] : vector<16xf32>, vector<16xi32> -> vector<16xf32>
      %max3A_183 = arith.maximumf %scan3A_111, %rev3A_182 : vector<16xf32>
      %masked_sort3A_184 = arith.constant dense<true> : vector<16xi1>
      %masked_sort3A_185, %masked_sort3A_186, %masked_sort3A_187 = tpu.sort %max3A_183, %max3A_183 masked %masked_sort3A_184 : (vector<16xf32>, vector<16xf32>, vector<16xi1>) -> (vector<16xi1>, vector<16xf32>, vector<16xf32>)
      %rev3A_188 = arith.constant 15 : i32
      %rev3A_189 = vector.broadcast %rev3A_188 : i32 to vector<16xi32>
      %rev3A_190 = tpu.iota {dimensions = array<i32: 0>} : vector<16xi32>
      %rev3A_191 = arith.subi %rev3A_189, %rev3A_190 : vector<16xi32>
      %rev3A_192 = tpu.dynamic_gather %masked_sort3A_176[%rev3A_191] in [0] : vector<16xf32>, vector<16xi32> -> vector<16xf32>
      %min3A_193 = arith.minimumf %scan3A_111, %rev3A_192 : vector<16xf32>
      %rev3A_194 = arith.constant 15 : i32
      %rev3A_195 = vector.broadcast %rev3A_194 : i32 to vector<16xi32>
      %rev3A_196 = tpu.iota {dimensions = array<i32: 0>} : vector<16xi32>
      %rev3A_197 = arith.subi %rev3A_195, %rev3A_196 : vector<16xi32>
      %rev3A_198 = tpu.dynamic_gather %masked_sort3A_186[%rev3A_197] in [0] : vector<16xf32>, vector<16xi32> -> vector<16xf32>
      %max3A_199 = arith.maximumf %scan3A_110, %rev3A_198 : vector<16xf32>
      %rev3A_200 = arith.constant 15 : i32
      %rev3A_201 = vector.broadcast %rev3A_200 : i32 to vector<16xi32>
      %rev3A_202 = tpu.iota {dimensions = array<i32: 0>} : vector<16xi32>
      %rev3A_203 = arith.subi %rev3A_201, %rev3A_202 : vector<16xi32>
      %rev3A_204 = tpu.dynamic_gather %masked_sort3A_186[%rev3A_203] in [0] : vector<16xf32>, vector<16xi32> -> vector<16xf32>
      %min3A_205 = arith.minimumf %scan3A_110, %rev3A_204 : vector<16xf32>
      %masked_sort3A_206 = arith.constant dense<true> : vector<16xi1>
      %masked_sort3A_207, %masked_sort3A_208, %masked_sort3A_209 = tpu.sort %min3A_205, %min3A_205 masked %masked_sort3A_206 : (vector<16xf32>, vector<16xf32>, vector<16xi1>) -> (vector<16xi1>, vector<16xf32>, vector<16xf32>)
      %masked_sort3A_210 = arith.constant dense<true> : vector<16xi1>
      %masked_sort3A_211, %masked_sort3A_212, %masked_sort3A_213 = tpu.sort %min3A_193, %min3A_193 masked %masked_sort3A_210 : (vector<16xf32>, vector<16xf32>, vector<16xi1>) -> (vector<16xi1>, vector<16xf32>, vector<16xf32>)
      %rev3A_214 = arith.constant 15 : i32
      %rev3A_215 = vector.broadcast %rev3A_214 : i32 to vector<16xi32>
      %rev3A_216 = tpu.iota {dimensions = array<i32: 0>} : vector<16xi32>
      %rev3A_217 = arith.subi %rev3A_215, %rev3A_216 : vector<16xi32>
      %rev3A_218 = tpu.dynamic_gather %masked_sort3A_212[%rev3A_217] in [0] : vector<16xf32>, vector<16xi32> -> vector<16xf32>
      %max3A_219 = arith.maximumf %masked_sort3A_208, %rev3A_218 : vector<16xf32>
      %masked_sort3A_220 = arith.constant dense<true> : vector<16xi1>
      %masked_sort3A_221, %masked_sort3A_222, %masked_sort3A_223 = tpu.sort %max3A_219, %max3A_219 masked %masked_sort3A_220 : (vector<16xf32>, vector<16xf32>, vector<16xi1>) -> (vector<16xi1>, vector<16xf32>, vector<16xf32>)
      %masked_sort3A_224 = arith.constant dense<true> : vector<16xi1>
      %masked_sort3A_225, %masked_sort3A_226, %masked_sort3A_227 = tpu.sort %max3A_199, %max3A_199 masked %masked_sort3A_224 : (vector<16xf32>, vector<16xf32>, vector<16xi1>) -> (vector<16xi1>, vector<16xf32>, vector<16xf32>)
      scf.yield %masked_sort3A_168, %masked_sort3A_164, %masked_sort3A_226, %masked_sort3A_222 : vector<16xf32>, vector<16xf32>, vector<16xf32>, vector<16xf32>
    }
    %scan3A_68 = arith.constant 34 : i32
    %reduce_min3A = arith.constant true
    %reduce_min3A_69 = vector.broadcast %reduce_min3A : i1 to vector<16xi1>
    %reduce_min3A_70 = tpu.scan <min>, %scan3A_67#1 masked %reduce_min3A_69 : vector<16xf32>, vector<16xi1> -> vector<16xf32>
    %reduce_min3A_71 = vector.extract %reduce_min3A_70[15] : f32 from vector<16xf32>
    %broadcast_in_dim3A = vector.broadcast %reduce_min3A_71 : f32 to vector<16xf32>
    %reduce_min3A_72 = arith.constant true
    %reduce_min3A_73 = vector.broadcast %reduce_min3A_72 : i1 to vector<16xi1>
    %reduce_min3A_74 = tpu.scan <min>, %scan3A_67#3 masked %reduce_min3A_73 : vector<16xf32>, vector<16xi1> -> vector<16xf32>
    %reduce_min3A_75 = vector.extract %reduce_min3A_74[15] : f32 from vector<16xf32>
    %broadcast_in_dim3A_76 = vector.broadcast %reduce_min3A_75 : f32 to vector<16xf32>
    %mul3A_77 = arith.constant 576 : i32
    %mul3A_78 = arith.muli %mul3A_2, %mul3A_77 : i32
    %mul3A_79 = arith.constant 576 : i32
    %mul3A_80 = arith.muli %add3A_4, %mul3A_79 : i32
    %broadcast_in_dim3A_81 = arith.constant 0 : i32
    %broadcast_in_dim3A_82 = vector.broadcast %broadcast_in_dim3A_81 : i32 to vector<16xi32>
    %broadcast_in_dim3A_83 = arith.constant 32 : i32
    %broadcast_in_dim3A_84 = vector.broadcast %broadcast_in_dim3A_83 : i32 to vector<16xi32>
    %broadcast_in_dim3A_85 = arith.constant 32 : i32
    %broadcast_in_dim3A_86 = vector.broadcast %broadcast_in_dim3A_85 : i32 to vector<16xi32>
    %broadcast_in_dim3A_87 = arith.constant 64 : i32
    %broadcast_in_dim3A_88 = vector.broadcast %broadcast_in_dim3A_87 : i32 to vector<16xi32>
    %scan3A_89 = arith.constant 0 : i32
    %scan3A_90 = arith.constant 36 : i32
    %scan3A_91 = arith.addi %scan3A_89, %scan3A_90 : i32
    %scan3A_92 = arith.constant 1 : i32
    %scan3A_93:2 = scf.for %scan3A_107 = %scan3A_89 to %scan3A_91 step %scan3A_92 iter_args(%scan3A_108 = %broadcast_in_dim3A_82, %scan3A_109 = %broadcast_in_dim3A_84) -> (vector<16xi32>, vector<16xi32>)  : i32 {
      %mul3A_110 = arith.constant 16 : i32
      %mul3A_111 = arith.muli %scan3A_107, %mul3A_110 : i32
      %get3A_112 = arith.index_cast %mul3A_111 : i32 to index
      %get3A_113 = tpu.vector_load %arg5[%get3A_112] {strides = array<i32>} : memref<576xf32, #tpu.memory_space<vmem>>, vector<16xf32>,
      %gt3A = arith.cmpf ogt, %get3A_113, %broadcast_in_dim3A : vector<16xf32>
      %convert_element_type3A = arith.extui %gt3A : vector<16xi1> to vector<16xi32>
      %broadcast_in_dim3A_114 = arith.constant true
      %broadcast_in_dim3A_115 = vector.broadcast %broadcast_in_dim3A_114 : i1 to vector<16xi1>
      %masked_cumsum3A = tpu.scan <sum>, %convert_element_type3A masked %broadcast_in_dim3A_115 : vector<16xi32>, vector<16xi1> -> vector<16xi32>
      %sub3A = arith.constant 1 : i32
      %sub3A_116 = vector.broadcast %sub3A : i32 to vector<16xi32>
      %sub3A_117 = arith.subi %masked_cumsum3A, %sub3A_116 : vector<16xi32>
      %add3A_118 = arith.addi %sub3A_117, %scan3A_108 : vector<16xi32>
      %mul3A_119 = arith.constant 16 : i32
      %mul3A_120 = arith.muli %scan3A_107, %mul3A_119 : i32
      %add3A_121 = arith.addi %mul3A_120, %mul3A_78 : i32
      %add3A_122 = vector.broadcast %add3A_121 : i32 to vector<16xi32>
      %add3A_123 = arith.addi %iota3A, %add3A_122 : vector<16xi32>
      tpu.vector_store_idx %arg7[%add3A_118], %add3A_123 masked %gt3A : memref<64xi32, #tpu.memory_space<vmem>>[vector<16xi32>], vector<16xi32>, vector<16xi1>
      %all_reduce_population_count3A = tpu.all_reduce %gt3A {dim = 0 : i64, kind = #tpu.reduction_kind<sum>} : vector<16xi1> -> vector<16xi32>
      %add3A_124 = arith.addi %scan3A_108, %all_reduce_population_count3A : vector<16xi32>
      %mul3A_125 = arith.constant 16 : i32
      %mul3A_126 = arith.muli %scan3A_107, %mul3A_125 : i32
      %get3A_127 = arith.index_cast %mul3A_126 : i32 to index
      %get3A_128 = tpu.vector_load %arg6[%get3A_127] {strides = array<i32>} : memref<576xf32, #tpu.memory_space<vmem>>, vector<16xf32>,
      %gt3A_129 = arith.cmpf ogt, %get3A_128, %broadcast_in_dim3A_76 : vector<16xf32>
      %convert_element_type3A_130 = arith.extui %gt3A_129 : vector<16xi1> to vector<16xi32>
      %broadcast_in_dim3A_131 = arith.constant true
      %broadcast_in_dim3A_132 = vector.broadcast %broadcast_in_dim3A_131 : i1 to vector<16xi1>
      %masked_cumsum3A_133 = tpu.scan <sum>, %convert_element_type3A_130 masked %broadcast_in_dim3A_132 : vector<16xi32>, vector<16xi1> -> vector<16xi32>
      %sub3A_134 = arith.constant 1 : i32
      %sub3A_135 = vector.broadcast %sub3A_134 : i32 to vector<16xi32>
      %sub3A_136 = arith.subi %masked_cumsum3A_133, %sub3A_135 : vector<16xi32>
      %add3A_137 = arith.addi %sub3A_136, %scan3A_109 : vector<16xi32>
      %mul3A_138 = arith.constant 16 : i32
      %mul3A_139 = arith.muli %scan3A_107, %mul3A_138 : i32
      %add3A_140 = arith.addi %mul3A_139, %mul3A_80 : i32
      %add3A_141 = vector.broadcast %add3A_140 : i32 to vector<16xi32>
      %add3A_142 = arith.addi %iota3A, %add3A_141 : vector<16xi32>
      tpu.vector_store_idx %arg7[%add3A_137], %add3A_142 masked %gt3A_129 : memref<64xi32, #tpu.memory_space<vmem>>[vector<16xi32>], vector<16xi32>, vector<16xi1>
      %all_reduce_population_count3A_143 = tpu.all_reduce %gt3A_129 {dim = 0 : i64, kind = #tpu.reduction_kind<sum>} : vector<16xi1> -> vector<16xi32>
      %add3A_144 = arith.addi %scan3A_109, %all_reduce_population_count3A_143 : vector<16xi32>
      scf.yield %add3A_124, %add3A_144 : vector<16xi32>, vector<16xi32>
    }
    %scan3A_94 = arith.constant 36 : i32
    %scan3A_95 = arith.constant 0 : i32
    %scan3A_96 = arith.constant 36 : i32
    %scan3A_97 = arith.addi %scan3A_95, %scan3A_96 : i32
    %scan3A_98 = arith.constant 1 : i32
    %scan3A_99:2 = scf.for %scan3A_107 = %scan3A_95 to %scan3A_97 step %scan3A_98 iter_args(%scan3A_108 = %scan3A_93#0, %scan3A_109 = %scan3A_93#1) -> (vector<16xi32>, vector<16xi32>)  : i32 {
      %mul3A_110 = arith.constant 16 : i32
      %mul3A_111 = arith.muli %scan3A_107, %mul3A_110 : i32
      %get3A_112 = arith.index_cast %mul3A_111 : i32 to index
      %get3A_113 = tpu.vector_load %arg5[%get3A_112] {strides = array<i32>} : memref<576xf32, #tpu.memory_space<vmem>>, vector<16xf32>,
      %eq3A = arith.cmpf oeq, %get3A_113, %broadcast_in_dim3A : vector<16xf32>
      %convert_element_type3A = arith.extui %eq3A : vector<16xi1> to vector<16xi32>
      %broadcast_in_dim3A_114 = arith.constant true
      %broadcast_in_dim3A_115 = vector.broadcast %broadcast_in_dim3A_114 : i1 to vector<16xi1>
      %masked_cumsum3A = tpu.scan <sum>, %convert_element_type3A masked %broadcast_in_dim3A_115 : vector<16xi32>, vector<16xi1> -> vector<16xi32>
      %sub3A = arith.constant 1 : i32
      %sub3A_116 = vector.broadcast %sub3A : i32 to vector<16xi32>
      %sub3A_117 = arith.subi %masked_cumsum3A, %sub3A_116 : vector<16xi32>
      %add3A_118 = arith.addi %sub3A_117, %scan3A_108 : vector<16xi32>
      %lt3A = arith.cmpi slt, %add3A_118, %broadcast_in_dim3A_86 : vector<16xi32>
      %and3A = arith.andi %eq3A, %lt3A : vector<16xi1>
      %mul3A_119 = arith.constant 16 : i32
      %mul3A_120 = arith.muli %scan3A_107, %mul3A_119 : i32
      %add3A_121 = arith.addi %mul3A_120, %mul3A_78 : i32
      %add3A_122 = vector.broadcast %add3A_121 : i32 to vector<16xi32>
      %add3A_123 = arith.addi %iota3A, %add3A_122 : vector<16xi32>
      tpu.vector_store_idx %arg7[%add3A_118], %add3A_123 masked %and3A : memref<64xi32, #tpu.memory_space<vmem>>[vector<16xi32>], vector<16xi32>, vector<16xi1>
      %all_reduce_population_count3A = tpu.all_reduce %and3A {dim = 0 : i64, kind = #tpu.reduction_kind<sum>} : vector<16xi1> -> vector<16xi32>
      %add3A_124 = arith.addi %scan3A_108, %all_reduce_population_count3A : vector<16xi32>
      %mul3A_125 = arith.constant 16 : i32
      %mul3A_126 = arith.muli %scan3A_107, %mul3A_125 : i32
      %get3A_127 = arith.index_cast %mul3A_126 : i32 to index
      %get3A_128 = tpu.vector_load %arg6[%get3A_127] {strides = array<i32>} : memref<576xf32, #tpu.memory_space<vmem>>, vector<16xf32>,
      %eq3A_129 = arith.cmpf oeq, %get3A_128, %broadcast_in_dim3A_76 : vector<16xf32>
      %convert_element_type3A_130 = arith.extui %eq3A_129 : vector<16xi1> to vector<16xi32>
      %broadcast_in_dim3A_131 = arith.constant true
      %broadcast_in_dim3A_132 = vector.broadcast %broadcast_in_dim3A_131 : i1 to vector<16xi1>
      %masked_cumsum3A_133 = tpu.scan <sum>, %convert_element_type3A_130 masked %broadcast_in_dim3A_132 : vector<16xi32>, vector<16xi1> -> vector<16xi32>
      %sub3A_134 = arith.constant 1 : i32
      %sub3A_135 = vector.broadcast %sub3A_134 : i32 to vector<16xi32>
      %sub3A_136 = arith.subi %masked_cumsum3A_133, %sub3A_135 : vector<16xi32>
      %add3A_137 = arith.addi %sub3A_136, %scan3A_109 : vector<16xi32>
      %lt3A_138 = arith.cmpi slt, %add3A_137, %broadcast_in_dim3A_88 : vector<16xi32>
      %and3A_139 = arith.andi %eq3A_129, %lt3A_138 : vector<16xi1>
      %mul3A_140 = arith.constant 16 : i32
      %mul3A_141 = arith.muli %scan3A_107, %mul3A_140 : i32
      %add3A_142 = arith.addi %mul3A_141, %mul3A_80 : i32
      %add3A_143 = vector.broadcast %add3A_142 : i32 to vector<16xi32>
      %add3A_144 = arith.addi %iota3A, %add3A_143 : vector<16xi32>
      tpu.vector_store_idx %arg7[%add3A_137], %add3A_144 masked %and3A_139 : memref<64xi32, #tpu.memory_space<vmem>>[vector<16xi32>], vector<16xi32>, vector<16xi1>
      %all_reduce_population_count3A_145 = tpu.all_reduce %and3A_139 {dim = 0 : i64, kind = #tpu.reduction_kind<sum>} : vector<16xi1> -> vector<16xi32>
      %add3A_146 = arith.addi %scan3A_109, %all_reduce_population_count3A_145 : vector<16xi32>
      scf.yield %add3A_124, %add3A_146 : vector<16xi32>, vector<16xi32>
    }
    %scan3A_100 = arith.constant 36 : i32
    %dma_start3A = arith.constant 0 : i32
    %dma_start3A_101 = arith.constant 0 : i32
    %dma_start3A_102 = tpu.memref_slice %arg2[%dma_start3A, %dma_start3A_101] : memref<36864x768xf32, #tpu.memory_space<hbm>> -> memref<36864x768xf32, #tpu.memory_space<hbm>>
    tpu.enqueue_indirect_dma source(%dma_start3A_102 : memref<36864x768xf32, #tpu.memory_space<hbm>>) target(%arg8 : memref<64x768xf32, #tpu.memory_space<vmem>>) offsets(%arg7 : memref<64xi32, #tpu.memory_space<vmem>>) semaphore(%arg9 : memref<!tpu.dma_semaphore, #tpu.memory_space<semaphore_mem>>)
    %dma_wait3A = arith.constant 0 : i32
    %dma_wait3A_103 = arith.constant 0 : i32
    %dma_wait3A_104 = tpu.memref_slice %arg2[%dma_wait3A, %dma_wait3A_103] : memref<36864x768xf32, #tpu.memory_space<hbm>> -> memref<36864x768xf32, #tpu.memory_space<hbm>>
    tpu.wait_indirect_dma semaphore(%arg9 : memref<!tpu.dma_semaphore, #tpu.memory_space<semaphore_mem>>) src(%dma_wait3A_104 : memref<36864x768xf32, #tpu.memory_space<hbm>>) dst(%arg8 : memref<64x768xf32, #tpu.memory_space<vmem>>)
    %mul3A_105 = arith.constant 64 : i32
    %mul3A_106 = arith.muli %add3A, %mul3A_105 : i32
    "tpu.region"() ({
      %run_scoped3A = tpu.sem_alloc : memref<!tpu.dma_semaphore, #tpu.memory_space<semaphore_mem>>
      %dma_start3A_107 = arith.constant 0 : i32
      %dma_start3A_108 = tpu.memref_slice %arg4[%mul3A_106, %dma_start3A_107] : memref<2048x768xf32, #tpu.memory_space<hbm>> -> memref<64x768xf32, #tpu.memory_space<hbm>>
      %dma_start3A_109 = arith.constant 0 : i32
      %dma_start3A_110 = tpu.memref_slice %arg4[%mul3A_106, %dma_start3A_109] : memref<2048x768xf32, #tpu.memory_space<hbm>> -> memref<64x768xf32, #tpu.memory_space<hbm>>
      tpu.enqueue_dma source(%arg8 : memref<64x768xf32, #tpu.memory_space<vmem>>) target(%dma_start3A_110 : memref<64x768xf32, #tpu.memory_space<hbm>>) target_semaphore(%run_scoped3A : memref<!tpu.dma_semaphore, #tpu.memory_space<semaphore_mem>>)
      %dma_wait3A_111 = arith.constant 0 : i32
      %dma_wait3A_112 = tpu.memref_slice %arg4[%mul3A_106, %dma_wait3A_111] : memref<2048x768xf32, #tpu.memory_space<hbm>> -> memref<64x768xf32, #tpu.memory_space<hbm>>
      %dma_wait3A_113 = arith.constant 0 : i32
      %dma_wait3A_114 = tpu.memref_slice %arg4[%mul3A_106, %dma_wait3A_113] : memref<2048x768xf32, #tpu.memory_space<hbm>> -> memref<64x768xf32, #tpu.memory_space<hbm>>
      tpu.wait_dma2 semaphore(%run_scoped3A : memref<!tpu.dma_semaphore, #tpu.memory_space<semaphore_mem>>) src(%arg8 : memref<64x768xf32, #tpu.memory_space<vmem>>) dst(%dma_wait3A_114 : memref<64x768xf32, #tpu.memory_space<hbm>>)
      tpu.yield
    }) : () -> ()
    return
  }
}

module attributes {stable_mosaic.version = 14 : i64} {
  func.func @_dense_body(%arg0: i32, %arg1: memref<512x768xf32, #tpu.memory_space<vmem>>, %arg2: memref<768x768xbf16, #tpu.memory_space<vmem>>, %arg3: memref<1x768xf32, #tpu.memory_space<vmem>>, %arg4: memref<1x768xf32, #tpu.memory_space<vmem>>, %arg5: memref<1000x768xbf16, #tpu.memory_space<vmem>>, %arg6: memref<1x1000xf32, #tpu.memory_space<vmem>>, %arg7: memref<64x1000xf32, #tpu.memory_space<vmem>>, %arg8: memref<64x768xf32, #tpu.memory_space<vmem>>, %arg9: memref<64x1xf32, #tpu.memory_space<vmem>>) attributes {dimension_semantics = [#tpu.dimension_semantics<arbitrary>], iteration_bounds = array<i64: 4>, scalar_prefetch = 0 : i64, scratch_operands = 2 : i64, tpu.core_type = #tpu.core_type<tc>, window_params = [{transform_indices = @transform_0, window_bounds = array<i64: 512, 768>}, {pipeline_mode = #tpu.pipeline_mode<synchronous>, transform_indices = @transform_1, window_bounds = array<i64: 768, 768>}, {pipeline_mode = #tpu.pipeline_mode<synchronous>, transform_indices = @transform_2, window_bounds = array<i64: 1, 768>}, {pipeline_mode = #tpu.pipeline_mode<synchronous>, transform_indices = @transform_3, window_bounds = array<i64: 1, 768>}, {pipeline_mode = #tpu.pipeline_mode<synchronous>, transform_indices = @transform_4, window_bounds = array<i64: 1000, 768>}, {pipeline_mode = #tpu.pipeline_mode<synchronous>, transform_indices = @transform_5, window_bounds = array<i64: 1, 1000>}, {pipeline_mode = #tpu.pipeline_mode<synchronous>, transform_indices = @transform_6, window_bounds = array<i64: 64, 1000>}]} {
    %get3A = arith.constant 0 : index
    %get3A_0 = arith.constant 0 : index
    %get3A_1 = vector.load %arg1[%get3A, %get3A_0] : memref<512x768xf32, #tpu.memory_space<vmem>>, vector<512x768xf32>
    %convert_element_type3A = arith.truncf %get3A_1 : vector<512x768xf32> to vector<512x768xbf16>
    %get3A_2 = arith.constant 0 : index
    %get3A_3 = arith.constant 0 : index
    %get3A_4 = vector.load %arg2[%get3A_2, %get3A_3] : memref<768x768xbf16, #tpu.memory_space<vmem>>, vector<768x768xbf16>
    %dot_general3A = arith.constant dense<0.000000e+00> : vector<512x768xf32>
    %dot_general3A_5 = tpu.matmul %convert_element_type3A, %get3A_4, %dot_general3A {dimension_numbers = #tpu.dot_dimension_numbers<[1], [1], [0], [0], [0, 0, 1, 0], [], []>, transpose_lhs_hint = false} : vector<512x768xbf16>, vector<768x768xbf16>, vector<512x768xf32> -> vector<512x768xf32>
    %get3A_6 = arith.constant 0 : index
    %get3A_7 = arith.constant 0 : index
    %get3A_8 = vector.load %arg3[%get3A_6, %get3A_7] : memref<1x768xf32, #tpu.memory_space<vmem>>, vector<1x768xf32>
    %add3A = vector.broadcast %get3A_8 : vector<1x768xf32> to vector<512x768xf32>
    %add3A_9 = arith.addf %dot_general3A_5, %add3A : vector<512x768xf32>
    %tanh3A = math.tanh %add3A_9 : vector<512x768xf32>
    %get3A_10 = arith.constant 0 : index
    %get3A_11 = arith.constant 0 : index
    %get3A_12 = vector.load %arg4[%get3A_10, %get3A_11] : memref<1x768xf32, #tpu.memory_space<vmem>>, vector<1x768xf32>
    %dot_general3A_13 = arith.constant dense<0.000000e+00> : vector<512x1xf32>
    %dot_general3A_14 = tpu.matmul %tanh3A, %get3A_12, %dot_general3A_13 {dimension_numbers = #tpu.dot_dimension_numbers<[1], [1], [0], [0], [0, 0, 1, 0], [], []>, transpose_lhs_hint = false} : vector<512x768xf32>, vector<1x768xf32>, vector<512x1xf32> -> vector<512x1xf32>
    %exp3A = math.exp %dot_general3A_14 : vector<512x1xf32>
    %iota3A = tpu.iota {dimensions = array<i32: 1>} : vector<16x512xi32>
    %iota3A_15 = tpu.iota {dimensions = array<i32: 0>} : vector<16x512xi32>
    %div3A = arith.constant 32 : i32
    %div3A_16 = vector.broadcast %div3A : i32 to vector<16x512xi32>
    %div3A_17 = arith.divsi %iota3A, %div3A_16 : vector<16x512xi32>
    %eq3A = arith.cmpi eq, %div3A_17, %iota3A_15 : vector<16x512xi32>
    %convert_element_type3A_18 = arith.extui %eq3A : vector<16x512xi1> to vector<16x512xi32>
    %convert_element_type3A_19 = arith.sitofp %convert_element_type3A_18 : vector<16x512xi32> to vector<16x512xf32>
    %mul3A = vector.broadcast %exp3A : vector<512x1xf32> to vector<512x768xf32>
    %mul3A_20 = arith.mulf %get3A_1, %mul3A : vector<512x768xf32>
    %dot_general3A_21 = arith.constant dense<0.000000e+00> : vector<16x768xf32>
    %dot_general3A_22 = tpu.matmul %convert_element_type3A_19, %mul3A_20, %dot_general3A_21 {dimension_numbers = #tpu.dot_dimension_numbers<[1], [0], [0], [1], [0, 0, 1, 1], [], []>, transpose_lhs_hint = false} : vector<16x512xf32>, vector<512x768xf32>, vector<16x768xf32> -> vector<16x768xf32>
    %mul3A_23 = arith.constant 16 : i32
    %mul3A_24 = arith.muli %arg0, %mul3A_23 : i32
    %swap3A = arith.index_cast %mul3A_24 : i32 to index
    %swap3A_25 = arith.constant 0 : index
    %swap3A_26 = vector.load %arg8[%swap3A, %swap3A_25] : memref<64x768xf32, #tpu.memory_space<vmem>>, vector<16x768xf32>
    tpu.vector_store %arg8[%swap3A, %swap3A_25], %dot_general3A_22 {strides = array<i32>} : memref<64x768xf32, #tpu.memory_space<vmem>>, vector<16x768xf32>,
    %dot_general3A_27 = arith.constant dense<0.000000e+00> : vector<16x1xf32>
    %dot_general3A_28 = tpu.matmul %convert_element_type3A_19, %exp3A, %dot_general3A_27 {dimension_numbers = #tpu.dot_dimension_numbers<[1], [0], [0], [1], [0, 0, 1, 1], [], []>, transpose_lhs_hint = false} : vector<16x512xf32>, vector<512x1xf32>, vector<16x1xf32> -> vector<16x1xf32>
    %mul3A_29 = arith.constant 16 : i32
    %mul3A_30 = arith.muli %arg0, %mul3A_29 : i32
    %swap3A_31 = arith.index_cast %mul3A_30 : i32 to index
    %swap3A_32 = arith.constant 0 : index
    %swap3A_33 = vector.load %arg9[%swap3A_31, %swap3A_32] : memref<64x1xf32, #tpu.memory_space<vmem>>, vector<16x1xf32>
    tpu.vector_store %arg9[%swap3A_31, %swap3A_32], %dot_general3A_28 {strides = array<i32>} : memref<64x1xf32, #tpu.memory_space<vmem>>, vector<16x1xf32>,
    %eq3A_34 = arith.constant 3 : i32
    %eq3A_35 = arith.cmpi eq, %arg0, %eq3A_34 : i32
    %convert_element_type3A_36 = arith.extui %eq3A_35 : i1 to i32
    %cond3A = arith.constant 0 : i32
    %cond3A_37 = arith.cmpi ne, %convert_element_type3A_36, %cond3A : i32
    scf.if %cond3A_37 {
      %get3A_38 = arith.constant 0 : index
      %get3A_39 = arith.constant 0 : index
      %get3A_40 = vector.load %arg8[%get3A_38, %get3A_39] : memref<64x768xf32, #tpu.memory_space<vmem>>, vector<64x768xf32>
      %get3A_41 = arith.constant 0 : index
      %get3A_42 = arith.constant 0 : index
      %get3A_43 = vector.load %arg9[%get3A_41, %get3A_42] : memref<64x1xf32, #tpu.memory_space<vmem>>, vector<64x1xf32>
      %div3A_44 = vector.broadcast %get3A_43 : vector<64x1xf32> to vector<64x768xf32>
      %div3A_45 = arith.divf %get3A_40, %div3A_44 : vector<64x768xf32>
      %convert_element_type3A_46 = arith.truncf %div3A_45 : vector<64x768xf32> to vector<64x768xbf16>
      %get3A_47 = arith.constant 0 : index
      %get3A_48 = arith.constant 0 : index
      %get3A_49 = vector.load %arg5[%get3A_47, %get3A_48] : memref<1000x768xbf16, #tpu.memory_space<vmem>>, vector<1000x768xbf16>
      %dot_general3A_50 = arith.constant dense<0.000000e+00> : vector<64x1000xf32>
      %dot_general3A_51 = tpu.matmul %convert_element_type3A_46, %get3A_49, %dot_general3A_50 {dimension_numbers = #tpu.dot_dimension_numbers<[1], [1], [0], [0], [0, 0, 1, 0], [], []>, transpose_lhs_hint = false} : vector<64x768xbf16>, vector<1000x768xbf16>, vector<64x1000xf32> -> vector<64x1000xf32>
      %get3A_52 = arith.constant 0 : index
      %get3A_53 = arith.constant 0 : index
      %get3A_54 = vector.load %arg6[%get3A_52, %get3A_53] : memref<1x1000xf32, #tpu.memory_space<vmem>>, vector<1x1000xf32>
      %add3A_55 = vector.broadcast %get3A_54 : vector<1x1000xf32> to vector<64x1000xf32>
      %add3A_56 = arith.addf %dot_general3A_51, %add3A_55 : vector<64x1000xf32>
      %swap3A_57 = arith.constant 0 : index
      %swap3A_58 = arith.constant 0 : index
      %swap3A_59 = vector.load %arg7[%swap3A_57, %swap3A_58] : memref<64x1000xf32, #tpu.memory_space<vmem>>, vector<64x1000xf32>
      tpu.vector_store %arg7[%swap3A_57, %swap3A_58], %add3A_56 {strides = array<i32>} : memref<64x1000xf32, #tpu.memory_space<vmem>>, vector<64x1000xf32>,
    } else {
    }
    return
  }
  func.func @transform_0(%arg0: i32) -> (i32, i32) {
    %c0_i32 = arith.constant 0 : i32
    %c0_i32_0 = arith.constant 0 : i32
    return %arg0, %c0_i32 : i32, i32
  }
  func.func @transform_1(%arg0: i32) -> (i32, i32) {
    %c0_i32 = arith.constant 0 : i32
    %c0_i32_0 = arith.constant 0 : i32
    %c0_i32_1 = arith.constant 0 : i32
    return %c0_i32, %c0_i32_0 : i32, i32
  }
  func.func @transform_2(%arg0: i32) -> (i32, i32) {
    %c0_i32 = arith.constant 0 : i32
    %c0_i32_0 = arith.constant 0 : i32
    %c0_i32_1 = arith.constant 0 : i32
    return %c0_i32, %c0_i32_0 : i32, i32
  }
  func.func @transform_3(%arg0: i32) -> (i32, i32) {
    %c0_i32 = arith.constant 0 : i32
    %c0_i32_0 = arith.constant 0 : i32
    %c0_i32_1 = arith.constant 0 : i32
    return %c0_i32, %c0_i32_0 : i32, i32
  }
  func.func @transform_4(%arg0: i32) -> (i32, i32) {
    %c0_i32 = arith.constant 0 : i32
    %c0_i32_0 = arith.constant 0 : i32
    %c0_i32_1 = arith.constant 0 : i32
    return %c0_i32, %c0_i32_0 : i32, i32
  }
  func.func @transform_5(%arg0: i32) -> (i32, i32) {
    %c0_i32 = arith.constant 0 : i32
    %c0_i32_0 = arith.constant 0 : i32
    %c0_i32_1 = arith.constant 0 : i32
    return %c0_i32, %c0_i32_0 : i32, i32
  }
  func.func @transform_6(%arg0: i32) -> (i32, i32) {
    %c0_i32 = arith.constant 0 : i32
    %c0_i32_0 = arith.constant 0 : i32
    %c0_i32_1 = arith.constant 0 : i32
    return %c0_i32, %c0_i32_0 : i32, i32
  }
}

</mosaic_0001>

<sc_bundles>
// kernel: kernel.4.cloned.1.call-start
scs
__scs_entry_jumppad:
0x0: {  	(pc) =	sbr.rel $0x88, $3  }
0x1: {  	(tag) =	ssettag $0x0;
	lr =	simm.s32 $0x1  }
0x2: {  	[smem:$0x3F9A] =	sst lr;
	_ =	strace $0xD0000000  }
0x3: {  	_ = 	snop  }
0x4: {  	_ = 	snop  }
0x5: {  	_ = 	snop  }
0x6: {  	_ = 	snop  }
0x7: {  	_ = 	snop  }
__scs_overlays_trampoline_lowered:
0x8: {  	[smem:$0x3FA9] =	sst s0  }
0x9: {  	[smem:$0x3FAA] =	sst s1  }
0xa: {  	[smem:$0x3FAB] =	sst s2  }
0xb: {  	[smem:$0x3FAC] =	sst s3  }
0xc: {  	[smem:$0x3FAD] =	sst s4  }
0xd: {  	[smem:$0x3FAE] =	sst s5  }
0xe: {  	[smem:$0x3FAF] =	sst s6  }
0xf: {  	[smem:$0x3FB0] =	sst s7  }
0x10: {  	[smem:$0x3FB1] =	sst s8  }
0x11: {  	[smem:$0x3FB2] =	sst s9;
	s0 =	simm.s32 @!p0 $0x0  }
0x12: {  	s1 =	sld [smem:$0x3F98];
	s0 =	simm.s32 @p0 $0x1  }
0x13: {  	[smem:$0x3FB3] =	sst s0;
	s0 =	simm.s32 @!p1 $0x0  }
0x14: {  	s2 =	sld [smem:$0x3F97];
	s0 =	simm.s32 @p1 $0x1  }
0x15: {  	[smem:$0x3FB4] =	sst s0;
	s0 =	simm.s32 @!p2 $0x0  }
0x16: {  	s3 =	sld [smem:$0x3FDB];
	s0 =	simm.s32 @p2 $0x1  }
0x17: {  	s4 =	simm.s32 $0x1BF5;
	[smem:$0x3FB6] =	sst s0  }
0x18: {  	s0 =	sld [smem:$0x3F99];
	_ =	swait.ge [sflag:s4], $0x0  }
0x19: {  	s7 =	sld [smem:$0x3F9A]  }
0x1a: {  	s8 =	sadd.s32 $0xFFFFE003, lr  }
0x1b: {  	s9 =	sadd.s32 $0xFFFFFEF7, lr;
	s5 =	simm.s32 $0xFFFFFFFF;
	p2 =	slt.u32 s8, $0xFFFFF086  }
0x1c: {  	p1 =	slt.u32 s9, $0xF7A;
	s5 =	simm.s32 @!p2 $0x0  }
0x1d: {  	s5 =	simm.s32 @p1 $0x1;
	p0 =	seq.s32 s7, s2  }
0x1e: {  	s7 =	smul.u32 @!p0 $0xF7A, s2;
	p2 =	seq.s32 @!p0 s5, $0x0  }
0x1f: {  	s9 =	smul.u32 $0xF7A, s1;
	s8 =	simm.s32 @!p0 $0x1BF5;
	p2 =	por !p2, p0  }
0x20: {  	[sflag:s8] =	ssyncset.s32 @!p0 $0xFFFFF086;
	s6 =	sadd.s32 @!p0 s3, s7;
	s7 =	simm.s32 @!p0 $0x108  }
0x21: {  	s3 =	sadd.s32 s3, s9;
	s6 =	sadd.s32 @!p0 $0x88, s6;
	s7 =	simm.s32 @p2 $0x1082  }
0x22: {  	[simem:s7], [sflag:s8] =	dma.local @!p0 [hbm:s6], $0xF7A  }
0x23: {  	s9 =	sor.u32 $0xD0000000, s2;
	s6 =	simm.s32 $0x108;
	_ =	swait.ge @!p0 [sflag:s8], $0x0  }
0x24: {  	s3 =	sadd.s32 $0x88, s3;
	s6 =	simm.s32 @!p1 $0x1082;
	[sflag:s4] =	ssyncset.s32 $0xFFFFF086  }
0x25: {  	[simem:s6], [sflag:s4] =	dma.local [hbm:s3], $0xF7A  }
0x26: {  	[smem:$0x3F9A] =	sst s1;
	(tag) =	ssettag s2;
	_ =	strace s9  }
0x27: {  	s1 =	sld [smem:$0x3FAA]  }
0x28: {  	s2 =	sld [smem:$0x3FAB]  }
0x29: {  	s4 =	sld [smem:$0x3FAD]  }
0x2a: {  	p0 =	seq.s32 s5, $0x0;
	s5 =	sld [smem:$0x3FAE]  }
0x2b: {  	s6 =	sld [smem:$0x3FAF]  }
0x2c: {  	s7 =	sld [smem:$0x3FB0]  }
0x2d: {  	s3 =	simm.s32 $0x108;
	s8 =	sld [smem:$0x3FB1]  }
0x2e: {  	s3 =	simm.s32 @!p0 $0x1082;
	s9 =	sld [smem:$0x3FB2]  }
0x2f: {  	lr =	sadd.s32 s0, s3;
	s0 =	sld [smem:$0x3FA9]  }
0x30: {  	s3 =	sld [smem:$0x3FAC]  }
0x31: {  	[smem:$0x3FB5] =	sst s10  }
0x32: {  	s10 =	sld [smem:$0x3FB3];
	_ =	sdelay $0x3  }
0x33: {  	p0 =	seq.s32 s10, $0x1;
	s10 =	sld [smem:$0x3FB5];
	_ =	sdelay $0x3  }
0x34: {  	[smem:$0x3FB5] =	sst s10  }
0x35: {  	s10 =	sld [smem:$0x3FB4];
	_ =	sdelay $0x3  }
0x36: {  	p1 =	seq.s32 s10, $0x1;
	s10 =	sld [smem:$0x3FB5];
	_ =	sdelay $0x3  }
0x37: {  	[smem:$0x3FB5] =	sst s10  }
0x38: {  	s10 =	sld [smem:$0x3FB6]  }
0x39: {  	_ = 	snop;
	(pc) =	sbr.ind lr, $3  }
0x3a: {  	_ = 	snop  }
0x3b: {  	_ = 	snop  }
0x3c: {  	p2 =	seq.s32 s10, $0x1;
	s10 =	sld [smem:$0x3FB5]  }
0x3d: {  	_ =	shalt  }
0x3e: {  	_ =	shalt  }
0x3f: {  	_ =	shalt  }
0x40: {  	_ =	shalt  }
0x41: {  	_ =	shalt  }
0x42: {  	_ =	shalt  }
0x43: {  	_ =	shalt  }
0x44: {  	_ =	shalt  }
0x45: {  	_ =	shalt  }
0x46: {  	_ =	shalt  }
0x47: {  	_ =	shalt  }
0x48: {  	_ =	shalt  }
0x49: {  	_ =	shalt  }
0x4a: {  	_ =	shalt  }
0x4b: {  	_ =	shalt  }
0x4c: {  	_ =	shalt  }
0x4d: {  	_ =	shalt  }
0x4e: {  	_ =	shalt  }
0x4f: {  	_ =	shalt  }
0x50: {  	_ =	shalt  }
0x51: {  	_ =	shalt  }
0x52: {  	_ =	shalt  }
0x53: {  	_ =	shalt  }
0x54: {  	_ =	shalt  }
0x55: {  	_ =	shalt  }
0x56: {  	_ =	shalt  }
0x57: {  	_ =	shalt  }
0x58: {  	_ =	shalt  }
0x59: {  	_ =	shalt  }
0x5a: {  	_ =	shalt  }
0x5b: {  	_ =	shalt  }
0x5c: {  	_ =	shalt  }
0x5d: {  	_ =	shalt  }
0x5e: {  	_ =	shalt  }
0x5f: {  	_ =	shalt  }
0x60: {  	_ =	shalt  }
0x61: {  	_ =	shalt  }
0x62: {  	_ =	shalt  }
0x63: {  	_ =	shalt  }
0x64: {  	_ =	shalt  }
0x65: {  	_ =	shalt  }
0x66: {  	_ =	shalt  }
0x67: {  	_ =	shalt  }
0x68: {  	_ =	shalt  }
0x69: {  	_ =	shalt  }
0x6a: {  	_ =	shalt  }
0x6b: {  	_ =	shalt  }
0x6c: {  	_ =	shalt  }
0x6d: {  	_ =	shalt  }
0x6e: {  	_ =	shalt  }
0x6f: {  	_ =	shalt  }
0x70: {  	_ =	shalt  }
0x71: {  	_ =	shalt  }
0x72: {  	_ =	shalt  }
0x73: {  	_ =	shalt  }
0x74: {  	_ =	shalt  }
0x75: {  	_ =	shalt  }
0x76: {  	_ =	shalt  }
0x77: {  	_ =	shalt  }
0x78: {  	_ =	shalt  }
0x79: {  	_ =	shalt  }
0x7a: {  	_ =	shalt  }
0x7b: {  	_ =	shalt  }
0x7c: {  	_ =	shalt  }
0x7d: {  	_ =	shalt  }
0x7e: {  	_ =	shalt  }
0x7f: {  	_ =	shalt  }
0x80: {  	_ =	shalt  }
0x81: {  	_ =	shalt  }
0x82: {  	_ =	shalt  }
0x83: {  	_ =	shalt  }
0x84: {  	_ =	shalt  }
0x85: {  	_ =	shalt  }
0x86: {  	_ =	shalt  }
0x87: {  	_ =	shalt  }
.Lfunc_end0:
.L_simem_size_0:
called_computation_lowered:
.L_overlay_start_0:
0x88: {  	s2 =	sld [smem:$0x3FD9]  }
0x89: {  	s3 =	sld [smem:$0x3FFE];
	_ =	sdelay $0x1  }
0x8a: {  	s1 =	srdreg.scid  }
0x8b: {  	s0 =	sand.u32 $0x1, s1  }
0x8c: {  	s17 =	sshll.u32 s0, $0xA;
	s2 =	sadd.s32 s3, s2  }
0x8d: {  	s2 =	sadd.s32 s2, s17  }
0x8e: {  	[smem:$0x3FC1] =	sst s2  }
0x8f: {  	_ = 	snop  }
0x90: {  	s2 =	sld [smem:$0x3FC9]  }
0x91: {  	s18 =	sld [smem:$0x3FC8];
	(tm) =	ssettm $0x1  }
0x92: {  	s4 =	sld [smem:$0x3FFB];
	_ =	sdelay $0x3  }
0x93: {  	_ =	strace s4  }
0x94: {  	s4 =	sld [smem:$0x3FFC];
	_ =	sdelay $0x3  }
0x95: {  	_ =	strace s4  }
0x96: {  	s4 =	sld [smem:$0x3FFD];
	_ =	sdelay $0x3  }
0x97: {  	_ =	strace s4  }
0x98: {  	_ =	strace $0x8FFFFFFF  }
0x99: {  	s19 =	sld [smem:$0x3FDB];
	_ =	sdelay $0x1  }
0x9a: {  	s5 =	simm.s32 $_scs_section_size  }
0x9b: {  	s6 =	simm.s32 $_size__tile_overlayer_lowered;
	s7 =	simm.s32 $_tile_overlayer_lowered  }
0x9c: {  	s22 =	simm.s32 $0x1BFF;
	s21 =	sshll.u32 s7, $0x1;
	s4 =	sadd.s32 s5, s19  }
0x9d: {  	s8 =	simm.s32 $0x0;
	s20 =	sshll.u32 s6, $0x1;
	s6 =	sadd.s32 s21, s4  }
0x9e: {  	[timem:s8], [sflag:s22] =	dma.local [hbm:s6], s20  }
0x9f: {  	_ =	swait.ge [sflag:s22], s20  }
0xa0: {  	s5 =	ssub.s32 $0x0, s20;
	[sflag:s22] =	ssyncset.done $0x0  }
0xa1: {  	[sflag:s22] =	ssyncadd.s32 s5;
	_ =	sdelay $0x1  }
0xa2: {  	s23 =	simm.s32 $0x1B8B  }
0xa3: {  	_ =	swait.ge [sflag:s23], $0x1  }
0xa4: {  	[sflag:s23] =	ssyncset.done $0x0  }
0xa5: {  	s25 =	simm.s32 $0x1B8E;
	s24 =	sld [smem:$0x3FFE];
	[sflag:s23] =	ssyncadd.s32 $0xFFFFFFFF  }
0xa6: {  	s26 =	simm.s32 $execute0_lowered;
	[smem:$0x3FD2] =	sst s25  }
0xa7: {  	s6 =	sshll.u32 s26, $0x1;
	_ =	strace $0x80000046;
	[dreg:$0x1] =	wrdreg $0xFFFFFFFF  }
0xa8: {  	s28 =	simm.s32 $_size_execute0_lowered;
	s4 =	sadd.s32 s4, s6;
	[dreg:$0x0] =	wrdreg $0x0  }
0xa9: {  	s6 =	sshll.u32 s28, $0x1;
	[dreg:$0x2] =	wrdreg s4  }
0xaa: {  	[dreg:$0x3] =	wrdreg s6  }
0xab: {  	[dreg:$0x4] =	wrdreg $0xC0  }
0xac: {  	_ =	task [dreg:s8], $0x5FFFF  }
0xad: {  	[dreg:$0x1] =	wrdreg $0xFFFFFFFF  }
0xae: {  	[dreg:$0x0] =	wrdreg $0x60  }
0xaf: {  	[dreg:$0x2] =	wrdreg s2  }
0xb0: {  	[dreg:$0x3] =	wrdreg s18  }
0xb1: {  	[dreg:$0x4] =	wrdreg s24  }
0xb2: {  	[dreg:$0x5] =	wrdreg $0x9  }
0xb3: {  	_ =	task.clear_ibuf [dreg:s8], $0x6FFFF;
	_ =	strace $0x90000046  }
0xb4: {  	s29 =	simm.s32 $0x9;
	_ =	strace $0x80000048  }
0xb5: {  	_ =	swait.ge [sflag:s29], $0x1  }
0xb6: {  	[sflag:s29] =	ssyncadd.s32 $0xFFFFFFFF  }
0xb7: {  	_ =	strace $0x90000048  }
0xb8: {  	_ =	sfence  }
0xb9: {  	s30 =	sld [smem:$0x0];
	_ =	sdelay $0x2  }
0xba: {  	s31 =	sshll.u32 s1, $0xD;
	s1 =	sshrl.u32 s1, $0x2  }
0xbb: {  	s3 =	sand.u32 $0x4000, s31;
	s1 =	sadd.s32 s1, s30  }
0xbc: {  	s0 =	sor.u32 s3, s0;
	s1 =	sshll.u32 s1, $0x11  }
0xbd: {  	s0 =	sor.u32 s1, s0  }
0xbe: {  	s0 =	sadd.s32 $0x8F2B, s0  }
0xbf: {  	[sflag:s0] =	ssyncadd.remote.s32 $0x1  }
0xc0: {  	_ =	sfence.sel $0xFFFF  }
0xc1: {  	[dreg:$0x0] =	wrdreg $0xFFFFFFFF;
	(pc) =	sbr.abs _section_cstart, $3  }
0xc2: {  	[dreg:$0x1] =	wrdreg $0xFFFFFFFF  }
0xc3: {  	_ =	task.clear_ibuf [dreg:s8], $0x2FFFF;
	_ =	strace $0x9FFFFFFF  }
0xc4: {  	(tm) =	ssettm $0x7FFFFFFF  }
0xc5: {  	_ =	shalt  }
tec
execute0_lowered:
.L_overlay_start_1:
0x0: {  	(tag) =	ssettag $0x1  }
0x1: {  	s1 =	rddreg [dreg:$0x0]  }
0x2: {  	s0 =	srdreg.scid;
	s2 =	rddreg [dreg:$0x1]  }
0x3: {  	s11 =	stileid.u32;
	s4 =	rddreg [dreg:$0x2]  }
0x4: {  	s12 =	simm.s32 $0x2;
	s14 =	simm.s32 $0x500;
	s15 =	simm.s32 $0x580  }
0x5: {  	s28 =	simm.s32 $0x6580;
	s29 =	simm.s32 $0x6D80;
	s30 =	simm.s32 $0x7580  }
0x6: {  	s31 =	simm.s32 $0x7D80;
	s13 =	simm.s32 $0x9580;
	s16 =	simm.s32 $0x9D80  }
0x7: {  	s17 =	simm.s32 $0xA580;
	s18 =	simm.s32 $0xAD80;
	s19 =	simm.s32 $0xB580  }
0x8: {  	s20 =	simm.s32 $0xBD80;
	s21 =	simm.s32 $0x1;
	s0 =	sand.u32 $0x1, s0  }
0x9: {  	s3 =	sshll.u32 s11, $0x1;
	s24 =	sshrl.u32 s11, $0x1;
	s11 =	smul.u32 $0x900, s11  }
0xa: {  	s5 =	sor.u32 s0, s3;
	s25 =	ssub.s32 $0x2, s0;
	s0 =	smul.u32 $0x480, s0  }
0xb: {  	s22 =	simm.s32 $0x0;
	s3 =	simm.s32 $0x0;
	s6 =	smul.u32 $0x1800, s5  }
0xc: {  	[smem:$0x7FF] =	sst s3;
	s5 =	sshll.u32 s5, $0x8;
	s7 =	sshrl.u32 s25, $0x1  }
0xd: {  	_ =	strace $0x80000047;
	s9 =	sand.u32 $0x300, s5;
	s5 =	sor.u32 $0x80, s5  }
0xe: {  	s10 =	ssub.s32 s25, s7;
	s8 =	sadd.s32 s6, s4;
	s4 =	smul.u32 $0x1400, s24  }
0xf: {  	s7 =	sadd.s32 $0x200, s1;
	s5 =	sand.u32 $0x380, s5;
	s24 =	sadd.s32 s0, s11  }
0x10: {  	v0 =	vlaneseq.u32;
	s11 =	simm.s32 $0x400;
	s0 =	simm.s32 $0x8D80;
	s26 =	sor.u32 s4, s9  }
0x11: {  	v1 =	vmul.u32 $0xFFFFFFFF, v0;
	s8 =	sadd.s32 $0x1000, s8;
	s5 =	sor.u32 s4, s5;
	s6 =	sshrl.u32 s26, $0x3  }
0x12: {  	s9 =	smax.u32 s10, $0x1;
	s5 =	sshrl.u32 s5, $0x3;
	s4 =	sadd.s32 s2, s6  }
0x13: {  	v2 =	vimm.s32 $0x0;
	v1 =	vadd.s32 $0xF, v1;
	s5 =	sadd.s32 s2, s5;
	s6 =	sadd.s32 $0x100, s1;
	s2 =	simm.s32 $0x8580  }
.LBB2_1:
0x14: {  	s10 =	simm.s32 $0x80  }
0x15: {  	[tilespmem:s3], [sflag:$0x2] =	stream.strided.gather [hbm4b:s4+s10], $0x280, s11, s10, $0x38;
	[tilespmem:$0xC580] =	vst v63  }
0x16: {  	_ =	swait.ge [sflag:s12], $0x280  }
0x17: {  	[sflag:s12] =	ssyncset.done $0x0  }
0x18: {  	s23 =	simm.s32 $0x280;
	[sflag:s12] =	ssyncadd.s32 $0xFFFFFD80  }
0x19: {  	[tilespmem:s23], [sflag:$0x2] =	stream.strided.gather [hbm4b:s5+s10], $0x280, s11, s10, $0x38;
	[tilespmem:$0xC580] =	vst v63  }
0x1a: {  	_ =	swait.ge [sflag:s12], $0x280  }
0x1b: {  	[sflag:s12] =	ssyncset.done $0x0  }
0x1c: {  	[sflag:s12] =	ssyncadd.s32 $0xFFFFFD80  }
0x1d: {  	v3 =	vld [tilespmem:$0x0]  }
0x1e: {  	v4 =	vld [tilespmem:$0x10];
	_ =	sdelay $0x3  }
0x1f: {  	(xrf1) =	vsort.ascd.msk.f32 $0xffff, v3, v3  }
0x20: {  	(xrf1) =	vsort.ascd.msk.f32 $0xffff, v4, v4;
	_ =	sdelay $0xc  }
0x21: {  	v3, _, _ =	vpop (xrf1)  }
0x22: {  	v4, _, _ =	vpop (xrf1)  }
0x23: {  	v5 =	vld [tilespmem:$0x280];
	v4 =	vperm.xlane v4, v1  }
0x24: {  	v6 =	vld [tilespmem:$0x290]  }
0x25: {  	v7 =	vmax.f32 v3, v4  }
0x26: {  	v3 =	vmin.f32 v3, v4;
	(xrf1) =	vsort.ascd.msk.f32 $0xffff, v7, v7  }
0x27: {  	(xrf1) =	vsort.ascd.msk.f32 $0xffff, v3, v3  }
0x28: {  	(xrf1) =	vsort.ascd.msk.f32 $0xffff, v5, v5  }
0x29: {  	(xrf1) =	vsort.ascd.msk.f32 $0xffff, v6, v6;
	_ =	sdelay $0xa  }
0x2a: {  	v3, _, _ =	vpop (xrf1)  }
0x2b: {  	v4, _, _ =	vpop (xrf1)  }
0x2c: {  	v5, _, _ =	vpop (xrf1)  }
0x2d: {  	s26 =	simm.s32 $0x20;
	v6, _, _ =	vpop (xrf1)  }
0x2e: {  	v57 =	vld [tilespmem:s26+$0x0];
	v6 =	vperm.xlane v6, v1  }
0x2f: {  	v8 =	vld [tilespmem:s26+$0x280]  }
0x30: {  	v9 =	vmax.f32 v5, v6  }
0x31: {  	v5 =	vmin.f32 v5, v6;
	(xrf1) =	vsort.ascd.msk.f32 $0xffff, v9, v9  }
0x32: {  	(xrf1) =	vsort.ascd.msk.f32 $0xffff, v5, v5  }
0x33: {  	(xrf1) =	vsort.ascd.msk.f32 $0xffff, v57, v57  }
0x34: {  	(xrf1) =	vsort.ascd.msk.f32 $0xffff, v8, v8;
	_ =	sdelay $0xa  }
0x35: {  	v5, _, _ =	vpop (xrf1)  }
0x36: {  	v58, _, _ =	vpop (xrf1)  }
0x37: {  	v7, _, _ =	vpop (xrf1)  }
0x38: {  	v7 =	vperm.xlane v7, v1;
	v8, _, _ =	vpop (xrf1)  }
0x39: {  	v8 =	vperm.xlane v8, v1  }
0x3a: {  	v59 =	vmax.f32 v4, v7  }
0x3b: {  	v10 =	vmax.f32 v58, v8;
	(xrf1) =	vsort.ascd.msk.f32 $0xffff, v59, v59  }
0x3c: {  	(xrf1) =	vsort.ascd.msk.f32 $0xffff, v10, v10;
	_ =	sdelay $0xc  }
0x3d: {  	v9, _, _ =	vpop (xrf1)  }
0x3e: {  	v4 =	vmin.f32 v4, v7;
	v60 =	vperm.xlane v9, v1;
	v61, _, _ =	vpop (xrf1)  }
0x3f: {  	v6 =	vmin.f32 v58, v8;
	(xrf1) =	vsort.ascd.msk.f32 $0xffff, v4, v4;
	v62 =	vperm.xlane v61, v1  }
0x40: {  	(xrf1) =	vsort.ascd.msk.f32 $0xffff, v6, v6;
	v4 =	vmin.f32 v3, v60  }
0x41: {  	v63 =	vmin.f32 v5, v62;
	(xrf1) =	vsort.ascd.msk.f32 $0xffff, v4, v4  }
0x42: {  	v4 =	vmax.f32 v5, v62;
	(xrf1) =	vsort.ascd.msk.f32 $0xffff, v63, v63  }
0x43: {  	v3 =	vmax.f32 v3, v60;
	(xrf1) =	vsort.ascd.msk.f32 $0xffff, v4, v4  }
0x44: {  	(xrf1) =	vsort.ascd.msk.f32 $0xffff, v3, v3;
	_ =	sdelay $0x4  }
0x45: {  	s10 =	simm.s32 $0x30  }
0x46: {  	s23 =	simm.s32 $0x100;
	v3 =	vld [tilespmem:s10+$0x0]  }
.LBB2_2:
0x47: {  	p0 =	sne.s32 s23, $0x8C0;
	v4 =	vld [tilespmem:s10+$0x280];
	_ =	sdelay $0x1  }
0x48: {  	v5, _, _ =	vpop (xrf1)  }
0x49: {  	v7 =	vperm.xlane v5, v1;
	v6, _, _ =	vpop (xrf1)  }
0x4a: {  	(xrf1) =	vsort.ascd.msk.f32 $0xffff, v3, v3;
	v3 =	vperm.xlane v6, v1;
	v6, _, _ =	vpop (xrf1)  }
0x4b: {  	(xrf1) =	vsort.ascd.msk.f32 $0xffff, v4, v4;
	v6 =	vmax.f32 v6, v7;
	v5, _, _ =	vpop (xrf1)  }
0x4c: {  	v3 =	vmax.f32 v5, v3;
	(xrf1) =	vsort.ascd.msk.f32 $0xffff, v6, v6;
	v4, _, _ =	vpop (xrf1)  }
0x4d: {  	v5, _, _ =	vpop (xrf1);
	(xrf1) =	vsort.ascd.msk.f32 $0xffff, v3, v3;
	_ =	sdelay $0xa  }
0x4e: {  	v3, _, _ =	vpop (xrf1)  }
0x4f: {  	v3 =	vperm.xlane v3, v1;
	v6, _, _ =	vpop (xrf1)  }
0x50: {  	v6 =	vperm.xlane v6, v1;
	v7, _, _ =	vpop (xrf1)  }
0x51: {  	v8 =	vmax.f32 v7, v3;
	v9, _, _ =	vpop (xrf1)  }
0x52: {  	v10 =	vmax.f32 v9, v6;
	(xrf1) =	vsort.ascd.msk.f32 $0xffff, v8, v8  }
0x53: {  	(xrf1) =	vsort.ascd.msk.f32 $0xffff, v10, v10;
	_ =	sdelay $0xc  }
0x54: {  	v8, _, _ =	vpop (xrf1)  }
0x55: {  	v3 =	vmin.f32 v7, v3;
	v7 =	vperm.xlane v8, v1;
	v8, _, _ =	vpop (xrf1)  }
0x56: {  	v6 =	vmin.f32 v9, v6;
	v8 =	vperm.xlane v8, v1;
	(xrf1) =	vsort.ascd.msk.f32 $0xffff, v3, v3  }
0x57: {  	v3 =	vmax.f32 v5, v7;
	v5 =	vmin.f32 v5, v7;
	(xrf1) =	vsort.ascd.msk.f32 $0xffff, v6, v6  }
0x58: {  	v6 =	vmax.f32 v4, v8;
	v4 =	vmin.f32 v4, v8;
	(xrf1) =	vsort.ascd.msk.f32 $0xffff, v5, v5  }
0x59: {  	(xrf1) =	vsort.ascd.msk.f32 $0xffff, v4, v4  }
0x5a: {  	(xrf1) =	vsort.ascd.msk.f32 $0xffff, v6, v6  }
0x5b: {  	(xrf1) =	vsort.ascd.msk.f32 $0xffff, v3, v3;
	_ =	sdelay $0x1  }
.Ltmp0:
0x5c: {  	(pc) =	sbr.rel @p0 .LBB2_2-.Ltmp0, $3  }
0x5d: {  	_ =	sdelay $0x1  }
0x5e: {  	s10 =	sshra.s32 s23, $0x2  }
0x5f: {  	s23 =	sadd.s32 $0x40, s23;
	v3 =	vld [tilespmem:s10+$0x0]  }
0x60: {  	_ =	sdelay $0x1  }
0x61: {  	v4 =	vld [tilespmem:s10+$0x280];
	v5, _, _ =	vpop (xrf1)  }
0x62: {  	v5 =	vperm.xlane v5, v1;
	_ =	sdelay $0x1  }
0x63: {  	v6, _, _ =	vpop (xrf1)  }
0x64: {  	(xrf1) =	vsort.ascd.msk.f32 $0xffff, v3, v3;
	v3 =	vperm.xlane v6, v1;
	v6, _, _ =	vpop (xrf1)  }
0x65: {  	(xrf1) =	vsort.ascd.msk.f32 $0xffff, v4, v4;
	v4 =	vmax.f32 v6, v5;
	v5, _, _ =	vpop (xrf1)  }
0x66: {  	(xrf1) =	vsort.ascd.msk.f32 $0xffff, v4, v4;
	v3 =	vmax.f32 v5, v3  }
0x67: {  	(xrf1) =	vsort.ascd.msk.f32 $0xffff, v3, v3;
	_ =	sdelay $0x8  }
0x68: {  	v3, _, _ =	vpop (xrf1)  }
0x69: {  	v4, _, _ =	vpop (xrf1)  }
0x6a: {  	v5, _, _ =	vpop (xrf1)  }
0x6b: {  	v5 =	vperm.xlane v5, v1;
	v6, _, _ =	vpop (xrf1)  }
0x6c: {  	v6 =	vperm.xlane v6, v1;
	v7, _, _ =	vpop (xrf1)  }
0x6d: {  	v8 =	vmax.f32 v7, v5;
	v9, _, _ =	vpop (xrf1)  }
0x6e: {  	(xrf1) =	vsort.ascd.msk.f32 $0xffff, v8, v8;
	v10 =	vmax.f32 v9, v6  }
0x6f: {  	(xrf1) =	vsort.ascd.msk.f32 $0xffff, v10, v10;
	_ =	sdelay $0xb  }
0x70: {  	v5 =	vmin.f32 v7, v5  }
0x71: {  	(xrf1) =	vsort.ascd.msk.f32 $0xffff, v5, v5;
	v8, _, _ =	vpop (xrf1)  }
0x72: {  	v7 =	vperm.xlane v8, v1;
	v8, _, _ =	vpop (xrf1)  }
0x73: {  	v6 =	vmin.f32 v9, v6;
	v8 =	vperm.xlane v8, v1  }
0x74: {  	(xrf1) =	vsort.ascd.msk.f32 $0xffff, v6, v6;
	v5 =	vmin.f32 v4, v7  }
0x75: {  	(xrf1) =	vsort.ascd.msk.f32 $0xffff, v5, v5;
	v6 =	vmin.f32 v3, v8  }
0x76: {  	(xrf1) =	vsort.ascd.msk.f32 $0xffff, v6, v6;
	_ =	sdelay $0x8  }
0x77: {  	v5, _, _ =	vpop (xrf1)  }
0x78: {  	v5 =	vperm.xlane v5, v1;
	_ =	sdelay $0x1  }
0x79: {  	v3 =	vmax.f32 v3, v8;
	v6, _, _ =	vpop (xrf1)  }
0x7a: {  	v4 =	vmax.f32 v4, v7;
	(xrf1) =	vsort.ascd.msk.f32 $0xffff, v3, v3;
	v3 =	vperm.xlane v6, v1;
	v6, _, _ =	vpop (xrf1)  }
0x7b: {  	(xrf1) =	vsort.ascd.msk.f32 $0xffff, v4, v4;
	v4 =	vmax.f32 v6, v5;
	v5, _, _ =	vpop (xrf1)  }
0x7c: {  	(xrf1) =	vsort.ascd.msk.f32 $0xffff, v4, v4;
	v3 =	vmax.f32 v5, v3  }
0x7d: {  	(xrf1) =	vsort.ascd.msk.f32 $0xffff, v3, v3;
	_ =	sdelay $0xa  }
0x7e: {  	v3, _, _ =	vpop (xrf1)  }
0x7f: {  	v3, _, _ =	vpop (xrf1)  }
0x80: {  	v3, _, _ =	vpop (xrf1)  }
0x81: {  	(xrf0) =	vmin.scan.msk.f32 $0xffff, v3;
	v4, _, _ =	vpop (xrf1)  }
0x82: {  	(xrf0) =	vmin.scan.msk.f32 $0xffff, v4;
	_ =	sdelay $0x4  }
0x83: {  	v3, _, _ =	vpop (xrf0)  }
0x84: {  	v6 =	vimm.s32 $0x20;
	v4, _, _ =	vpop (xrf0)  }
0x85: {  	s23 =	simm.s32 $0x0;
	s10 =	smov.u32 s24;
	s25 =	simm.s32 $0x0;
	v5 =	vimm.s32 $0x0;
	v3 =	vbroadcast v3, $0xF;
	v4 =	vbroadcast v4, $0xF  }
.LBB2_4:
0x86: {  	s26 =	sshra.s32 s25, $0x2  }
0x87: {  	v7 =	vld [tilespmem:s26+$0x0];
	_ =	sdelay $0x4  }
0x88: {  	vm0 =	vgt.f32 v7, v3  }
0x89: {  	v7 =	vsel vm0, $0x1, v2  }
0x8a: {  	(xrf0) =	vadd.scan.msk.s32 $0xffff, v7;
	_ =	sdelay $0x5  }
0x8b: {  	v7, _, _ =	vpop (xrf0)  }
0x8c: {  	v7 =	vadd.s32 v7, v5  }
0x8d: {  	v7 =	vadd.s32 $0xFFFFFFFF, v7;
	_ =	sdelay $0x3  }
0x8e: {  	v8 =	vor.u32 s10, v0  }
0x8f: {  	[tilespmem:v7+s14+$0x0] =	vst.idx.msk vm0, v8  }
0x90: {  	v7 =	vld [tilespmem:s26+$0x280];
	_ =	sdelay $0x4  }
0x91: {  	vm1 =	vgt.f32 v7, v4  }
0x92: {  	v7 =	vsel vm1, $0x1, v2  }
0x93: {  	(xrf0) =	vadd.scan.msk.s32 $0xffff, v7;
	_ =	sdelay $0x5  }
0x94: {  	v7, _, _ =	vpop (xrf0)  }
0x95: {  	v7 =	vadd.s32 v7, v6  }
0x96: {  	p0 =	sne.s32 s25, $0x8C0;
	v7 =	vadd.s32 $0xFFFFFFFF, v7  }
.Ltmp1:
0x97: {  	_ = 	snop;
	(pc) =	sbr.rel @p0 .LBB2_4-.Ltmp1, $4  }
0x98: {  	_ = 	snop  }
0x99: {  	v8 =	vmpcnt.ones.xlane vm0;
	s26 =	sadd.s32 $0x240, s10;
	v9 =	vmpcnt.ones.xlane vm1  }
0x9a: {  	v10 =	vor.u32 s26, v0  }
0x9b: {  	s25 =	sadd.s32 $0x40, s25;
	s10 =	sadd.s32 $0x10, s10;
	v5 =	vadd.s32 v5, v8;
	v6 =	vadd.s32 v6, v9;
	[tilespmem:v7+s14+$0x0] =	vst.idx.msk vm1, v10  }
0x9c: {  	s10 =	smov.u32 s24  }
.LBB2_6:
0x9d: {  	s25 =	sshra.s32 s23, $0x2  }
0x9e: {  	v7 =	vld [tilespmem:s25+$0x0];
	_ =	sdelay $0x4  }
0x9f: {  	vm0 =	veq.f32 v7, v3  }
0xa0: {  	v7 =	vsel vm0, $0x1, v2  }
0xa1: {  	(xrf0) =	vadd.scan.msk.s32 $0xffff, v7;
	_ =	sdelay $0x5  }
0xa2: {  	v7, _, _ =	vpop (xrf0)  }
0xa3: {  	v7 =	vadd.s32 v7, v5  }
0xa4: {  	v7 =	vadd.s32 $0xFFFFFFFF, v7  }
0xa5: {  	vm1 =	vlt.s32 v7, $0x20  }
0xa6: {  	vm0 =	vmand vm0, vm1;
	_ =	sdelay $0x4  }
0xa7: {  	v8 =	vor.u32 s10, v0  }
0xa8: {  	[tilespmem:v7+s14+$0x0] =	vst.idx.msk vm0, v8  }
0xa9: {  	v7 =	vld [tilespmem:s25+$0x280];
	_ =	sdelay $0x4  }
0xaa: {  	vm15 =	veq.f32 v7, v4  }
0xab: {  	v7 =	vsel vm15, $0x1, v2  }
0xac: {  	(xrf0) =	vadd.scan.msk.s32 $0xffff, v7;
	_ =	sdelay $0x5  }
0xad: {  	v7, _, _ =	vpop (xrf0)  }
0xae: {  	v7 =	vadd.s32 v7, v6  }
0xaf: {  	v7 =	vadd.s32 $0xFFFFFFFF, v7  }
0xb0: {  	vm2 =	vlt.s32 v7, $0x40  }
0xb1: {  	vm1 =	vmand vm15, vm2  }
0xb2: {  	p0 =	sne.s32 s23, $0x8C0  }
.Ltmp2:
0xb3: {  	_ = 	snop;
	(pc) =	sbr.rel @p0 .LBB2_6-.Ltmp2, $4  }
0xb4: {  	_ = 	snop  }
0xb5: {  	s26 =	sadd.s32 $0x240, s10;
	v8 =	vmpcnt.ones.xlane vm0;
	v9 =	vmpcnt.ones.xlane vm1  }
0xb6: {  	v10 =	vor.u32 s26, v0  }
0xb7: {  	s10 =	sadd.s32 $0x10, s10;
	s23 =	sadd.s32 $0x40, s23;
	v5 =	vadd.s32 v5, v8;
	v6 =	vadd.s32 v6, v9;
	[tilespmem:v7+s14+$0x0] =	vst.idx.msk vm1, v10  }
0xb8: {  	v3 =	vld [tilespmem:$0x500];
	_ =	sdelay $0x4  }
0xb9: {  	v4 =	vshrl.u32 v3, $0x3  }
0xba: {  	v4 =	vmul.u32 $0x30, v4  }
0xbb: {  	v3 =	vand.u32 $0x7, v3  }
0xbc: {  	v60 =	vand.u32 $0x7, v0;
	v5 =	vshrl.u32 v0, $0x3;
	v3 =	vor.u32 v3, v4  }
0xbd: {  	v5 =	vmul.u32 $0x8, v5;
	v6 =	vperm.xlane v3, v60;
	_ =	sdelay $0x1  }
0xbe: {  	v6 =	vadd.s32 v5, v6;
	_ =	sdelay $0x2  }
0xbf: {  	v7 =	vor.u32 $0x8, v0  }
0xc0: {  	vm0 =	vmmov $0xffff;
	v3 =	vperm.xlane v3, v7  }
0xc1: {  	[tilespmem:s15], [sflag:$0x1] =	stream.indirect_vreg.gather [hbm4b:s1+s3], $0x80, v6, vm0, $0xb8;
	[tilespmem:$0xC580] =	vst v63  }
0xc2: {  	s10 =	simm.s32 $0xD80;
	v3 =	vadd.s32 v5, v3  }
0xc3: {  	[tilespmem:s10], [sflag:$0x1] =	stream.indirect_vreg.gather [hbm4b:s6+s3], $0x80, v6, vm0, $0xb8;
	[tilespmem:$0xC580] =	vst v63  }
0xc4: {  	s26 =	simm.s32 $0x1580  }
0xc5: {  	[tilespmem:s26], [sflag:$0x1] =	stream.indirect_vreg.gather [hbm4b:s7+s3], $0x80, v6, vm0, $0xb8;
	[tilespmem:$0xC580] =	vst v63  }
0xc6: {  	s23 =	simm.s32 $0x1D80  }
0xc7: {  	[tilespmem:s23], [sflag:$0x1] =	stream.indirect_vreg.gather [hbm4b:s1+s3], $0x80, v3, vm0, $0xb8;
	[tilespmem:$0xC580] =	vst v63  }
0xc8: {  	s25 =	simm.s32 $0x2580  }
0xc9: {  	[tilespmem:s25], [sflag:$0x1] =	stream.indirect_vreg.gather [hbm4b:s6+s3], $0x80, v3, vm0, $0xb8;
	[tilespmem:$0xC580] =	vst v63  }
0xca: {  	s26 =	simm.s32 $0x2D80  }
0xcb: {  	[tilespmem:s26], [sflag:$0x1] =	stream.indirect_vreg.gather [hbm4b:s7+s3], $0x80, v3, vm0, $0xb8;
	[tilespmem:$0xC580] =	vst v63  }
0xcc: {  	v3 =	vld [tilespmem:$0x510];
	_ =	sdelay $0x4  }
0xcd: {  	v61 =	vshrl.u32 v3, $0x3  }
0xce: {  	v6 =	vmul.u32 $0x30, v61  }
0xcf: {  	v3 =	vand.u32 $0x7, v3  }
0xd0: {  	v3 =	vor.u32 v3, v6  }
0xd1: {  	v6 =	vperm.xlane v3, v60;
	_ =	sdelay $0x1  }
0xd2: {  	v6 =	vadd.s32 v5, v6;
	_ =	sdelay $0x3  }
0xd3: {  	s23 =	simm.s32 $0x3580;
	v3 =	vperm.xlane v3, v7  }
0xd4: {  	[tilespmem:s23], [sflag:$0x1] =	stream.indirect_vreg.gather [hbm4b:s1+s3], $0x80, v6, vm0, $0xb8;
	[tilespmem:$0xC580] =	vst v63  }
0xd5: {  	s25 =	simm.s32 $0x3D80;
	v3 =	vadd.s32 v5, v3  }
0xd6: {  	[tilespmem:s25], [sflag:$0x1] =	stream.indirect_vreg.gather [hbm4b:s6+s3], $0x80, v6, vm0, $0xb8;
	[tilespmem:$0xC580] =	vst v63  }
0xd7: {  	s26 =	simm.s32 $0x4580  }
0xd8: {  	[tilespmem:s26], [sflag:$0x1] =	stream.indirect_vreg.gather [hbm4b:s7+s3], $0x80, v6, vm0, $0xb8;
	[tilespmem:$0xC580] =	vst v63  }
0xd9: {  	s23 =	simm.s32 $0x4D80  }
0xda: {  	[tilespmem:s23], [sflag:$0x1] =	stream.indirect_vreg.gather [hbm4b:s1+s3], $0x80, v3, vm0, $0xb8;
	[tilespmem:$0xC580] =	vst v63  }
0xdb: {  	s25 =	simm.s32 $0x5580  }
0xdc: {  	[tilespmem:s25], [sflag:$0x1] =	stream.indirect_vreg.gather [hbm4b:s6+s3], $0x80, v3, vm0, $0xb8;
	[tilespmem:$0xC580] =	vst v63  }
0xdd: {  	s26 =	simm.s32 $0x5D80  }
0xde: {  	[tilespmem:s26], [sflag:$0x1] =	stream.indirect_vreg.gather [hbm4b:s7+s3], $0x80, v3, vm0, $0xb8;
	[tilespmem:$0xC580] =	vst v63  }
0xdf: {  	v3 =	vld [tilespmem:$0x520];
	_ =	sdelay $0x4  }
0xe0: {  	v62 =	vshrl.u32 v3, $0x3  }
0xe1: {  	v6 =	vmul.u32 $0x30, v62  }
0xe2: {  	v3 =	vand.u32 $0x7, v3  }
0xe3: {  	v3 =	vor.u32 v3, v6  }
0xe4: {  	v6 =	vperm.xlane v3, v60;
	_ =	sdelay $0x1  }
0xe5: {  	v6 =	vadd.s32 v5, v6;
	_ =	sdelay $0x3  }
0xe6: {  	v3 =	vperm.xlane v3, v7  }
0xe7: {  	[tilespmem:s28], [sflag:$0x1] =	stream.indirect_vreg.gather [hbm4b:s1+s3], $0x80, v6, vm0, $0xb8;
	[tilespmem:$0xC580] =	vst v63  }
0xe8: {  	v3 =	vadd.s32 v5, v3  }
0xe9: {  	[tilespmem:s29], [sflag:$0x1] =	stream.indirect_vreg.gather [hbm4b:s6+s3], $0x80, v6, vm0, $0xb8;
	[tilespmem:$0xC580] =	vst v63  }
0xea: {  	_ = 	snop  }
0xeb: {  	[tilespmem:s30], [sflag:$0x1] =	stream.indirect_vreg.gather [hbm4b:s7+s3], $0x80, v6, vm0, $0xb8;
	[tilespmem:$0xC580] =	vst v63  }
0xec: {  	_ = 	snop  }
0xed: {  	[tilespmem:s31], [sflag:$0x1] =	stream.indirect_vreg.gather [hbm4b:s1+s3], $0x80, v3, vm0, $0xb8;
	[tilespmem:$0xC580] =	vst v63  }
0xee: {  	_ = 	snop  }
0xef: {  	[tilespmem:s2], [sflag:$0x1] =	stream.indirect_vreg.gather [hbm4b:s6+s3], $0x80, v3, vm0, $0xb8;
	[tilespmem:$0xC580] =	vst v63  }
0xf0: {  	_ = 	snop  }
0xf1: {  	[tilespmem:s0], [sflag:$0x1] =	stream.indirect_vreg.gather [hbm4b:s7+s3], $0x80, v3, vm0, $0xb8;
	[tilespmem:$0xC580] =	vst v63  }
0xf2: {  	v3 =	vld [tilespmem:$0x530];
	_ =	sdelay $0x4  }
0xf3: {  	v63 =	vshrl.u32 v3, $0x3  }
0xf4: {  	v6 =	vmul.u32 $0x30, v63  }
0xf5: {  	v3 =	vand.u32 $0x7, v3  }
0xf6: {  	v3 =	vor.u32 v3, v6  }
0xf7: {  	v4 =	vperm.xlane v3, v60;
	_ =	sdelay $0x1  }
0xf8: {  	v4 =	vadd.s32 v5, v4;
	_ =	sdelay $0x3  }
0xf9: {  	v3 =	vperm.xlane v3, v7  }
0xfa: {  	[tilespmem:s13], [sflag:$0x1] =	stream.indirect_vreg.gather [hbm4b:s1+s3], $0x80, v4, vm0, $0xb8;
	[tilespmem:$0xC580] =	vst v63  }
0xfb: {  	v3 =	vadd.s32 v5, v3  }
0xfc: {  	[tilespmem:s16], [sflag:$0x1] =	stream.indirect_vreg.gather [hbm4b:s6+s3], $0x80, v4, vm0, $0xb8;
	[tilespmem:$0xC580] =	vst v63  }
0xfd: {  	_ = 	snop  }
0xfe: {  	[tilespmem:s17], [sflag:$0x1] =	stream.indirect_vreg.gather [hbm4b:s7+s3], $0x80, v4, vm0, $0xb8;
	[tilespmem:$0xC580] =	vst v63  }
0xff: {  	_ = 	snop  }
0x100: {  	[tilespmem:s18], [sflag:$0x1] =	stream.indirect_vreg.gather [hbm4b:s1+s3], $0x80, v3, vm0, $0xb8;
	[tilespmem:$0xC580] =	vst v63  }
0x101: {  	_ = 	snop  }
0x102: {  	[tilespmem:s19], [sflag:$0x1] =	stream.indirect_vreg.gather [hbm4b:s6+s3], $0x80, v3, vm0, $0xb8;
	[tilespmem:$0xC580] =	vst v63  }
0x103: {  	_ = 	snop  }
0x104: {  	[tilespmem:s20], [sflag:$0x1] =	stream.indirect_vreg.gather [hbm4b:s7+s3], $0x80, v3, vm0, $0xb8;
	[tilespmem:$0xC580] =	vst v63  }
0x105: {  	s22 =	sadd.s32 $0x1, s22;
	_ =	swait.ge [sflag:s21], $0xC000  }
0x106: {  	p0 =	sne.s32 s22, s9;
	[sflag:s21] =	ssyncset.done $0x0  }
.Ltmp3:
0x107: {  	[sflag:s21] =	ssyncadd.s32 $0xFFFF4000;
	(pc) =	sbr.rel @p0 .LBB2_1-.Ltmp3, $4  }
0x108: {  	[hbm4b:s8+s3] =	stream.linear.scatter [tilespmem:s15], [sflag:$0x2], $0xC000, $0x38;
	[tilespmem:$0xC580] =	vst v63  }
0x109: {  	_ =	swait.ge [sflag:s12], $0xC000  }
0x10a: {  	[sflag:s12] =	ssyncset.done $0x0  }
0x10b: {  	[sflag:s12] =	ssyncadd.s32 $0xFFFF4000  }
0x10c: {  	_ =	sfence.sel $0x180000  }
0x10d: {  	[bflag:$0x0] =	sbarrier.arrive $0xFFFF  }
0x10e: {  	_ =	strace $0x90000047  }
0x10f: {  	s0 =	stileid.u32;
	[bflag:$0x2] =	sbarrier.arrive $0xFFFF  }
0x110: {  	p0 =	sne.s32 s0, $0x0;
	s0 =	rddreg [dreg:$0x3]  }
0x111: {  	s0 =	sadd.s32 @!p0 $0x100000, s0  }
0x112: {  	[sflag:s0] =	ssyncadd.tile.s32 @!p0 $0x1;
	_ =	shalt  }
.Lfunc_end2:
_tile_overlayer_lowered:
.L_overlay_start_2:
0x113: {  	(tag) =	ssettag $0x2  }
0x114: {  	s0 =	rddreg [dreg:$0x0];
	s2 =	stileid.u32  }
0x115: {  	s1 =	rddreg [dreg:$0x1];
	p0 =	sne.s32 s2, $0x0  }
0x116: {  	s3 =	rddreg [dreg:$0x2];
	[bflag:$0x3] =	sbarrier.arrive $0xFFFF;
	s2 =	simm.s32 @!p0 $0x1C02  }
0x117: {  	[timem:s3], [sflag:s2] =	dma.local @!p0 [hbm:s0], s1  }
0x118: {  	s0 =	simm.s32 @!p0 $0x2  }
0x119: {  	_ =	swait.ge @!p0 [sflag:s0], s1  }
0x11a: {  	s1 =	ssub.s32 @!p0 $0x0, s1;
	[sflag:s0] =	ssyncset.done @!p0 $0x0  }
0x11b: {  	[sflag:s0] =	ssyncadd.s32 @!p0 s1  }
0x11c: {  	[bflag:$0x3] =	sbarrier.arrive $0xFFFF  }
0x11d: {  	_ =	shalt  }

</sc_bundles>
